<compile_context>
chip_gen: v7x
topology: tpu7x:2x2x1
jax: 0.10.2.dev20260603
libtpu: 0.0.44.dev20260713+nightly
codegen_flags: <defaults>
</compile_context>

<pallas_src>
import functools
import math

import jax
import jax.numpy as jnp
from jax import lax
from jax.experimental import pallas as pl
from jax.experimental.pallas import tpu as pltpu
from jax.experimental.pallas import tpu_sc as plsc

B = 4096
L = 200
D = 64
LANES = 16
NC, NS = 2, 16
NW = NC * NS
BPW = B // NW
NG = BPW
ROWS_G = L
SCALE = math.sqrt(D)


def _body(x_hbm, table_hbm, pe_hbm, out_hbm,
          idx0, idx1, id20, id21, rows0, rows1, outb0, outb1, pe_v,
          sg0, sg1, so0, so1):
    wid = lax.axis_index("s") * NC + lax.axis_index("c")
    g_base = wid * NG

    pltpu.sync_copy(pe_hbm.at[0, pl.ds(0, L)], pe_v)

    def fire(g, idx_r, id2_r, rows_r, sem):
        gg = g_base + g
        pltpu.sync_copy(x_hbm.at[pl.ds(gg * ROWS_G, ROWS_G)],
                        idx_r.at[pl.ds(0, ROWS_G)])

        @plsc.parallel_loop(0, (ROWS_G + LANES - 1) // LANES)
        def _(i):
            sl = pl.ds(i * LANES, LANES)
            id2_r[sl] = jax.lax.shift_right_logical(idx_r[sl], 1)

        pltpu.async_copy(table_hbm.at[id2_r.at[pl.ds(0, ROWS_G)]],
                         rows_r, sem)

    def wait_gather(id2_r, rows_r, sem):
        pltpu.make_async_copy(table_hbm.at[id2_r.at[pl.ds(0, ROWS_G)]],
                              rows_r, sem).wait()

    def compute(idx_r, rows_r, outb_r):
        @plsc.parallel_loop(0, ROWS_G, unroll=2)
        def _(r):
            v = idx_r[pl.ds(r, LANES)]
            base = (v[0] & 1) * D
            for j in range(D // LANES):
                src = rows_r[r, pl.ds(base + j * LANES, LANES)]
                outb_r[r, pl.ds(j * LANES, LANES)] = (
                    src * SCALE + pe_v[r, pl.ds(j * LANES, LANES)])

    def fire_out(g, outb_r, sem):
        gg = g_base + g
        pltpu.async_copy(outb_r, out_hbm.at[pl.ds(gg * ROWS_G, ROWS_G)], sem)

    def wait_out(outb_r, sem):
        pltpu.make_async_copy(outb_r, out_hbm.at[pl.ds(0, ROWS_G)],
                              sem).wait()

    slots = ((idx0, id20, rows0, outb0, sg0, so0),
             (idx1, id21, rows1, outb1, sg1, so1))

    fire(0, idx0, id20, rows0, sg0)
    fire(1, idx1, id21, rows1, sg1)

    @pl.loop(0, NG, step=2)
    def step(t):
        for b, (idx_r, id2_r, rows_r, outb_r, sg, so) in enumerate(slots):
            g = t + b
            wait_gather(id2_r, rows_r, sg)

            @pl.when(g >= 2)
            def _():
                wait_out(outb_r, so)

            compute(idx_r, rows_r, outb_r)
            fire_out(g, outb_r, so)

            @pl.when(g + 2 < NG)
            def _():
                fire(g + 2, idx_r, id2_r, rows_r, sg)

    wait_out(outb0, so0)
    wait_out(outb1, so1)


@jax.jit
def kernel(x, table, pe):
    x2 = x.reshape(B * L)
    run = pl.kernel(
        _body,
        out_type=jax.ShapeDtypeStruct((B * L, D), jnp.float32),
        mesh=plsc.VectorSubcoreMesh(core_axis_name="c", subcore_axis_name="s"),
        scratch_types=[
            pltpu.VMEM((ROWS_G + LANES,), jnp.int32),
            pltpu.VMEM((ROWS_G + LANES,), jnp.int32),
            pltpu.VMEM((ROWS_G + LANES,), jnp.int32),
            pltpu.VMEM((ROWS_G + LANES,), jnp.int32),
            pltpu.VMEM((ROWS_G, 2 * D), jnp.float32),
            pltpu.VMEM((ROWS_G, 2 * D), jnp.float32),
            pltpu.VMEM((ROWS_G, D), jnp.float32),
            pltpu.VMEM((ROWS_G, D), jnp.float32),
            pltpu.VMEM((L, D), jnp.float32),
            pltpu.SemaphoreType.DMA,
            pltpu.SemaphoreType.DMA,
            pltpu.SemaphoreType.DMA,
            pltpu.SemaphoreType.DMA,
        ],
        compiler_params=pltpu.CompilerParams(use_tc_tiling_on_sc=True),
    )
    return run(x2, table.reshape(-1, 2 * D), pe).reshape(B, L, D)

# --- scband reference (transcript-rebuilt; emitter-appended) ---
"""Pipeline reference for scband-transformer-embedding-27178553049752 (READ-ONLY COPY).

The authoritative reference and input builder live on the scoring server;
editing this copy changes nothing except your own understanding.
"""

import jax, jax.numpy as jnp
import numpy as np
import math

VOCAB = 1000000
D = 64
MAX_LEN = 5000
B = 4096
L = 200


def make_pe():
    pe = np.zeros((MAX_LEN, D), dtype=np.float32)
    position = np.arange(0, MAX_LEN, dtype=np.float32)[:, None]
    div_term = np.exp(np.arange(0, D, 2, dtype=np.float32) * -(math.log(10000.0) / D))
    pe[:, 0::2] = np.sin(position * div_term)
    pe[:, 1::2] = np.cos(position * div_term)
    return jnp.asarray(pe[None])  # [1, MAX_LEN, D]


def setup_inputs(seed: int = 0) -> dict:
    key = jax.random.key(seed)
    k1, k2 = jax.random.split(key)
    x = jax.random.randint(k1, (B, L), 0, VOCAB, dtype=jnp.int32)
    # nn.Embedding default init: N(0, 1)
    table = jax.random.normal(k2, (VOCAB, D), dtype=jnp.float32)
    pe = make_pe()
    return {"x": x, "table": table, "pe": pe}


def reference(x, table, pe):
    # Embeddings: lut(x) * sqrt(d_model)
    emb = jnp.take(table, x, axis=0) * math.sqrt(D)
    # PositionalEmbedding: pe[:, :x.size(1)] (buffer, no grad)
    out = emb + pe[:, : x.shape[1]]
    # Dropout is identity in eval mode
    return out

if __name__ == "__main__":
    import jax
    _d = setup_inputs()
    print(jax.jit(kernel)(*tuple(_d.values())))

</pallas_src>

<mosaic_0001>
#map = affine_map<(d0, d1) -> (0)>
#map1 = affine_map<(d0, d1) -> (0, 0)>
#map2 = affine_map<(d0, d1) -> (0, 0, 0)>
module attributes {stable_mosaic.version = 14 : i64} {
  func.func @_body(%arg0: i32, %arg1: i32, %arg2: memref<819200xi32, #tpu.memory_space<hbm>>, %arg3: memref<500000x128xf32, #tpu.memory_space<hbm>>, %arg4: memref<1x5000x64xf32, #tpu.memory_space<hbm>>, %arg5: memref<819200x64xf32, #tpu.memory_space<hbm>>, %arg6: memref<216xi32, #tpu.memory_space<vmem>>, %arg7: memref<216xi32, #tpu.memory_space<vmem>>, %arg8: memref<216xi32, #tpu.memory_space<vmem>>, %arg9: memref<216xi32, #tpu.memory_space<vmem>>, %arg10: memref<200x128xf32, #tpu.memory_space<vmem>>, %arg11: memref<200x128xf32, #tpu.memory_space<vmem>>, %arg12: memref<200x64xf32, #tpu.memory_space<vmem>>, %arg13: memref<200x64xf32, #tpu.memory_space<vmem>>, %arg14: memref<200x64xf32, #tpu.memory_space<vmem>>, %arg15: memref<!tpu.dma_semaphore, #tpu.memory_space<semaphore_mem>>, %arg16: memref<!tpu.dma_semaphore, #tpu.memory_space<semaphore_mem>>, %arg17: memref<!tpu.dma_semaphore, #tpu.memory_space<semaphore_mem>>, %arg18: memref<!tpu.dma_semaphore, #tpu.memory_space<semaphore_mem>>) attributes {dimension_semantics = [#tpu.dimension_semantics<core_parallel>, #tpu.dimension_semantics<subcore_parallel>], iteration_bounds = array<i64: 2, 16>, scalar_prefetch = 0 : i64, scratch_operands = 13 : i64, tpu.core_type = #tpu.core_type<sc_vector_subcore>, window_params = [{transform_indices = #map}, {transform_indices = #map1}, {transform_indices = #map2}, {transform_indices = #map1}]} {
    %mul3A = arith.constant 2 : i32
    %mul3A_0 = arith.muli %arg1, %mul3A : i32
    %add3A = arith.addi %mul3A_0, %arg0 : i32
    %mul3A_1 = arith.constant 128 : i32
    %mul3A_2 = arith.muli %add3A, %mul3A_1 : i32
    %run_scoped3A = arith.constant 0 : i32
    "tpu.region"() ({
      %run_scoped3A_40 = tpu.sem_alloc : memref<!tpu.dma_semaphore, #tpu.memory_space<semaphore_mem>>
      %dma_start3A_41 = arith.constant 0 : i32
      %dma_start3A_42 = arith.constant 0 : i32
      %dma_start3A_43 = tpu.memref_slice %arg4[%run_scoped3A, %dma_start3A_41, %dma_start3A_42] : memref<1x5000x64xf32, #tpu.memory_space<hbm>> -> memref<1x200x64xf32, #tpu.memory_space<hbm>>
      %dma_start3A_44 = tpu.memref_squeeze %dma_start3A_43 : memref<1x200x64xf32, #tpu.memory_space<hbm>> -> memref<200x64xf32, #tpu.memory_space<hbm>>
      %dma_start3A_45 = arith.constant 0 : i32
      %dma_start3A_46 = arith.constant 0 : i32
      %dma_start3A_47 = tpu.memref_slice %arg4[%run_scoped3A, %dma_start3A_45, %dma_start3A_46] : memref<1x5000x64xf32, #tpu.memory_space<hbm>> -> memref<1x200x64xf32, #tpu.memory_space<hbm>>
      %dma_start3A_48 = tpu.memref_squeeze %dma_start3A_47 : memref<1x200x64xf32, #tpu.memory_space<hbm>> -> memref<200x64xf32, #tpu.memory_space<hbm>>
      tpu.enqueue_dma source(%dma_start3A_48 : memref<200x64xf32, #tpu.memory_space<hbm>>) target(%arg14 : memref<200x64xf32, #tpu.memory_space<vmem>>) target_semaphore(%run_scoped3A_40 : memref<!tpu.dma_semaphore, #tpu.memory_space<semaphore_mem>>)
      %dma_wait3A_49 = arith.constant 0 : i32
      %dma_wait3A_50 = arith.constant 0 : i32
      %dma_wait3A_51 = tpu.memref_slice %arg4[%run_scoped3A, %dma_wait3A_49, %dma_wait3A_50] : memref<1x5000x64xf32, #tpu.memory_space<hbm>> -> memref<1x200x64xf32, #tpu.memory_space<hbm>>
      %dma_wait3A_52 = tpu.memref_squeeze %dma_wait3A_51 : memref<1x200x64xf32, #tpu.memory_space<hbm>> -> memref<200x64xf32, #tpu.memory_space<hbm>>
      %dma_wait3A_53 = arith.constant 0 : i32
      %dma_wait3A_54 = arith.constant 0 : i32
      %dma_wait3A_55 = tpu.memref_slice %arg4[%run_scoped3A, %dma_wait3A_53, %dma_wait3A_54] : memref<1x5000x64xf32, #tpu.memory_space<hbm>> -> memref<1x200x64xf32, #tpu.memory_space<hbm>>
      %dma_wait3A_56 = tpu.memref_squeeze %dma_wait3A_55 : memref<1x200x64xf32, #tpu.memory_space<hbm>> -> memref<200x64xf32, #tpu.memory_space<hbm>>
      tpu.wait_dma2 semaphore(%run_scoped3A_40 : memref<!tpu.dma_semaphore, #tpu.memory_space<semaphore_mem>>) src(%dma_wait3A_56 : memref<200x64xf32, #tpu.memory_space<hbm>>) dst(%arg14 : memref<200x64xf32, #tpu.memory_space<vmem>>)
      tpu.yield
    }) : () -> ()
    %add3A_3 = arith.constant 0 : i32
    %add3A_4 = arith.addi %mul3A_2, %add3A_3 : i32
    %mul3A_5 = arith.constant 200 : i32
    %mul3A_6 = arith.muli %add3A_4, %mul3A_5 : i32
    "tpu.region"() ({
      %run_scoped3A_40 = tpu.sem_alloc : memref<!tpu.dma_semaphore, #tpu.memory_space<semaphore_mem>>
      %dma_start3A_41 = arith.constant 0 : i32
      %dma_start3A_42 = tpu.memref_slice %arg6[%dma_start3A_41] : memref<216xi32, #tpu.memory_space<vmem>> -> memref<200xi32, #tpu.memory_space<vmem>>
      %dma_start3A_43 = tpu.memref_slice %arg2[%mul3A_6] : memref<819200xi32, #tpu.memory_space<hbm>> -> memref<200xi32, #tpu.memory_space<hbm>>
      %dma_start3A_44 = arith.constant 0 : i32
      %dma_start3A_45 = tpu.memref_slice %arg6[%dma_start3A_44] : memref<216xi32, #tpu.memory_space<vmem>> -> memref<200xi32, #tpu.memory_space<vmem>>
      %dma_start3A_46 = tpu.memref_slice %arg2[%mul3A_6] : memref<819200xi32, #tpu.memory_space<hbm>> -> memref<200xi32, #tpu.memory_space<hbm>>
      tpu.enqueue_dma source(%dma_start3A_46 : memref<200xi32, #tpu.memory_space<hbm>>) target(%dma_start3A_45 : memref<200xi32, #tpu.memory_space<vmem>>) target_semaphore(%run_scoped3A_40 : memref<!tpu.dma_semaphore, #tpu.memory_space<semaphore_mem>>)
      %dma_wait3A_47 = arith.constant 0 : i32
      %dma_wait3A_48 = tpu.memref_slice %arg6[%dma_wait3A_47] : memref<216xi32, #tpu.memory_space<vmem>> -> memref<200xi32, #tpu.memory_space<vmem>>
      %dma_wait3A_49 = tpu.memref_slice %arg2[%mul3A_6] : memref<819200xi32, #tpu.memory_space<hbm>> -> memref<200xi32, #tpu.memory_space<hbm>>
      %dma_wait3A_50 = arith.constant 0 : i32
      %dma_wait3A_51 = tpu.memref_slice %arg6[%dma_wait3A_50] : memref<216xi32, #tpu.memory_space<vmem>> -> memref<200xi32, #tpu.memory_space<vmem>>
      %dma_wait3A_52 = tpu.memref_slice %arg2[%mul3A_6] : memref<819200xi32, #tpu.memory_space<hbm>> -> memref<200xi32, #tpu.memory_space<hbm>>
      tpu.wait_dma2 semaphore(%run_scoped3A_40 : memref<!tpu.dma_semaphore, #tpu.memory_space<semaphore_mem>>) src(%dma_wait3A_52 : memref<200xi32, #tpu.memory_space<hbm>>) dst(%dma_wait3A_51 : memref<200xi32, #tpu.memory_space<vmem>>)
      tpu.yield
    }) : () -> ()
    %parallel_loop3A = arith.constant 0 : i32
    %parallel_loop3A_7 = arith.constant 13 : i32
    %parallel_loop3A_8 = arith.constant 1 : i32
    scf.for %parallel_loop3A_40 = %parallel_loop3A to %parallel_loop3A_7 step %parallel_loop3A_8  : i32 {
      %parallel_loop3A_41 = arith.constant 16 : i32
      %parallel_loop3A_42 = arith.muli %parallel_loop3A_40, %parallel_loop3A_41 : i32
      %parallel_loop3A_43 = arith.index_cast %parallel_loop3A_42 : i32 to index
      %parallel_loop3A_44 = tpu.vector_load %arg6[%parallel_loop3A_43] {strides = array<i32>} : memref<216xi32, #tpu.memory_space<vmem>>, vector<16xi32>,
      %parallel_loop3A_45 = vector.shape_cast %parallel_loop3A_44 : vector<16xi32> to vector<16xi32>
      %parallel_loop3A_46 = arith.constant 1 : i32
      %parallel_loop3A_47 = vector.broadcast %parallel_loop3A_46 : i32 to vector<16xi32>
      %parallel_loop3A_48 = arith.shrui %parallel_loop3A_45, %parallel_loop3A_47 : vector<16xi32>
      %parallel_loop3A_49 = arith.index_cast %parallel_loop3A_42 : i32 to index
      %parallel_loop3A_50 = tpu.vector_load %arg8[%parallel_loop3A_49] {strides = array<i32>} : memref<216xi32, #tpu.memory_space<vmem>>, vector<16xi32>,
      %parallel_loop3A_51 = vector.shape_cast %parallel_loop3A_50 : vector<16xi32> to vector<16xi32>
      %parallel_loop3A_52 = vector.shape_cast %parallel_loop3A_48 : vector<16xi32> to vector<16xi32>
      tpu.vector_store %arg8[%parallel_loop3A_49], %parallel_loop3A_52 {strides = array<i32>} : memref<216xi32, #tpu.memory_space<vmem>>, vector<16xi32>,
    } {sc.loop_unroll_factor = 1 : i64, sc.parallel_access}
    %dma_start3A = arith.constant 0 : i32
    %dma_start3A_9 = tpu.memref_slice %arg8[%dma_start3A] : memref<216xi32, #tpu.memory_space<vmem>> -> memref<200xi32, #tpu.memory_space<vmem>>
    %dma_start3A_10 = arith.constant 0 : i32
    %dma_start3A_11 = arith.constant 0 : i32
    %dma_start3A_12 = tpu.memref_slice %arg3[%dma_start3A_10, %dma_start3A_11] : memref<500000x128xf32, #tpu.memory_space<hbm>> -> memref<500000x128xf32, #tpu.memory_space<hbm>>
    tpu.enqueue_indirect_dma source(%dma_start3A_12 : memref<500000x128xf32, #tpu.memory_space<hbm>>) target(%arg10 : memref<200x128xf32, #tpu.memory_space<vmem>>) offsets(%dma_start3A_9 : memref<200xi32, #tpu.memory_space<vmem>>) semaphore(%arg15 : memref<!tpu.dma_semaphore, #tpu.memory_space<semaphore_mem>>)
    %add3A_13 = arith.constant 1 : i32
    %add3A_14 = arith.addi %mul3A_2, %add3A_13 : i32
    %mul3A_15 = arith.constant 200 : i32
    %mul3A_16 = arith.muli %add3A_14, %mul3A_15 : i32
    "tpu.region"() ({
      %run_scoped3A_40 = tpu.sem_alloc : memref<!tpu.dma_semaphore, #tpu.memory_space<semaphore_mem>>
      %dma_start3A_41 = arith.constant 0 : i32
      %dma_start3A_42 = tpu.memref_slice %arg7[%dma_start3A_41] : memref<216xi32, #tpu.memory_space<vmem>> -> memref<200xi32, #tpu.memory_space<vmem>>
      %dma_start3A_43 = tpu.memref_slice %arg2[%mul3A_16] : memref<819200xi32, #tpu.memory_space<hbm>> -> memref<200xi32, #tpu.memory_space<hbm>>
      %dma_start3A_44 = arith.constant 0 : i32
      %dma_start3A_45 = tpu.memref_slice %arg7[%dma_start3A_44] : memref<216xi32, #tpu.memory_space<vmem>> -> memref<200xi32, #tpu.memory_space<vmem>>
      %dma_start3A_46 = tpu.memref_slice %arg2[%mul3A_16] : memref<819200xi32, #tpu.memory_space<hbm>> -> memref<200xi32, #tpu.memory_space<hbm>>
      tpu.enqueue_dma source(%dma_start3A_46 : memref<200xi32, #tpu.memory_space<hbm>>) target(%dma_start3A_45 : memref<200xi32, #tpu.memory_space<vmem>>) target_semaphore(%run_scoped3A_40 : memref<!tpu.dma_semaphore, #tpu.memory_space<semaphore_mem>>)
      %dma_wait3A_47 = arith.constant 0 : i32
      %dma_wait3A_48 = tpu.memref_slice %arg7[%dma_wait3A_47] : memref<216xi32, #tpu.memory_space<vmem>> -> memref<200xi32, #tpu.memory_space<vmem>>
      %dma_wait3A_49 = tpu.memref_slice %arg2[%mul3A_16] : memref<819200xi32, #tpu.memory_space<hbm>> -> memref<200xi32, #tpu.memory_space<hbm>>
      %dma_wait3A_50 = arith.constant 0 : i32
      %dma_wait3A_51 = tpu.memref_slice %arg7[%dma_wait3A_50] : memref<216xi32, #tpu.memory_space<vmem>> -> memref<200xi32, #tpu.memory_space<vmem>>
      %dma_wait3A_52 = tpu.memref_slice %arg2[%mul3A_16] : memref<819200xi32, #tpu.memory_space<hbm>> -> memref<200xi32, #tpu.memory_space<hbm>>
      tpu.wait_dma2 semaphore(%run_scoped3A_40 : memref<!tpu.dma_semaphore, #tpu.memory_space<semaphore_mem>>) src(%dma_wait3A_52 : memref<200xi32, #tpu.memory_space<hbm>>) dst(%dma_wait3A_51 : memref<200xi32, #tpu.memory_space<vmem>>)
      tpu.yield
    }) : () -> ()
    %parallel_loop3A_17 = arith.constant 0 : i32
    %parallel_loop3A_18 = arith.constant 13 : i32
    %parallel_loop3A_19 = arith.constant 1 : i32
    scf.for %parallel_loop3A_40 = %parallel_loop3A_17 to %parallel_loop3A_18 step %parallel_loop3A_19  : i32 {
      %parallel_loop3A_41 = arith.constant 16 : i32
      %parallel_loop3A_42 = arith.muli %parallel_loop3A_40, %parallel_loop3A_41 : i32
      %parallel_loop3A_43 = arith.index_cast %parallel_loop3A_42 : i32 to index
      %parallel_loop3A_44 = tpu.vector_load %arg7[%parallel_loop3A_43] {strides = array<i32>} : memref<216xi32, #tpu.memory_space<vmem>>, vector<16xi32>,
      %parallel_loop3A_45 = vector.shape_cast %parallel_loop3A_44 : vector<16xi32> to vector<16xi32>
      %parallel_loop3A_46 = arith.constant 1 : i32
      %parallel_loop3A_47 = vector.broadcast %parallel_loop3A_46 : i32 to vector<16xi32>
      %parallel_loop3A_48 = arith.shrui %parallel_loop3A_45, %parallel_loop3A_47 : vector<16xi32>
      %parallel_loop3A_49 = arith.index_cast %parallel_loop3A_42 : i32 to index
      %parallel_loop3A_50 = tpu.vector_load %arg9[%parallel_loop3A_49] {strides = array<i32>} : memref<216xi32, #tpu.memory_space<vmem>>, vector<16xi32>,
      %parallel_loop3A_51 = vector.shape_cast %parallel_loop3A_50 : vector<16xi32> to vector<16xi32>
      %parallel_loop3A_52 = vector.shape_cast %parallel_loop3A_48 : vector<16xi32> to vector<16xi32>
      tpu.vector_store %arg9[%parallel_loop3A_49], %parallel_loop3A_52 {strides = array<i32>} : memref<216xi32, #tpu.memory_space<vmem>>, vector<16xi32>,
    } {sc.loop_unroll_factor = 1 : i64, sc.parallel_access}
    %dma_start3A_20 = arith.constant 0 : i32
    %dma_start3A_21 = tpu.memref_slice %arg9[%dma_start3A_20] : memref<216xi32, #tpu.memory_space<vmem>> -> memref<200xi32, #tpu.memory_space<vmem>>
    %dma_start3A_22 = arith.constant 0 : i32
    %dma_start3A_23 = arith.constant 0 : i32
    %dma_start3A_24 = tpu.memref_slice %arg3[%dma_start3A_22, %dma_start3A_23] : memref<500000x128xf32, #tpu.memory_space<hbm>> -> memref<500000x128xf32, #tpu.memory_space<hbm>>
    tpu.enqueue_indirect_dma source(%dma_start3A_24 : memref<500000x128xf32, #tpu.memory_space<hbm>>) target(%arg11 : memref<200x128xf32, #tpu.memory_space<vmem>>) offsets(%dma_start3A_21 : memref<200xi32, #tpu.memory_space<vmem>>) semaphore(%arg16 : memref<!tpu.dma_semaphore, #tpu.memory_space<semaphore_mem>>)
    %scan3A = arith.constant 0 : i32
    %scan3A_25 = arith.constant 64 : i32
    %scan3A_26 = arith.addi %scan3A, %scan3A_25 : i32
    %scan3A_27 = arith.constant 1 : i32
    scf.for %scan3A_40 = %scan3A to %scan3A_26 step %scan3A_27  : i32 {
      %mul3A_41 = arith.constant 2 : i32
      %mul3A_42 = arith.muli %scan3A_40, %mul3A_41 : i32
      %add3A_43 = arith.constant 0 : i32
      %add3A_44 = arith.addi %add3A_43, %mul3A_42 : i32
      %add3A_45 = arith.constant 0 : i32
      %add3A_46 = arith.addi %add3A_44, %add3A_45 : i32
      %dma_wait3A_47 = arith.constant 0 : i32
      %dma_wait3A_48 = tpu.memref_slice %arg8[%dma_wait3A_47] : memref<216xi32, #tpu.memory_space<vmem>> -> memref<200xi32, #tpu.memory_space<vmem>>
      %dma_wait3A_49 = arith.constant 0 : i32
      %dma_wait3A_50 = arith.constant 0 : i32
      %dma_wait3A_51 = tpu.memref_slice %arg3[%dma_wait3A_49, %dma_wait3A_50] : memref<500000x128xf32, #tpu.memory_space<hbm>> -> memref<500000x128xf32, #tpu.memory_space<hbm>>
      tpu.wait_indirect_dma semaphore(%arg15 : memref<!tpu.dma_semaphore, #tpu.memory_space<semaphore_mem>>) src(%dma_wait3A_51 : memref<500000x128xf32, #tpu.memory_space<hbm>>) dst(%arg10 : memref<200x128xf32, #tpu.memory_space<vmem>>)
      %ge3A = arith.constant 2 : i32
      %ge3A_52 = arith.cmpi sge, %add3A_46, %ge3A : i32
      %convert_element_type3A = arith.extui %ge3A_52 : i1 to i32
      %cond3A = arith.constant 0 : i32
      %cond3A_53 = arith.cmpi ne, %convert_element_type3A, %cond3A : i32
      scf.if %cond3A_53 {
        %dma_wait3A_99 = arith.constant 0 : i32
        %dma_wait3A_100 = arith.constant 0 : i32
        %dma_wait3A_101 = tpu.memref_slice %arg5[%dma_wait3A_99, %dma_wait3A_100] : memref<819200x64xf32, #tpu.memory_space<hbm>> -> memref<200x64xf32, #tpu.memory_space<hbm>>
        %dma_wait3A_102 = arith.constant 0 : i32
        %dma_wait3A_103 = arith.constant 0 : i32
        %dma_wait3A_104 = tpu.memref_slice %arg5[%dma_wait3A_102, %dma_wait3A_103] : memref<819200x64xf32, #tpu.memory_space<hbm>> -> memref<200x64xf32, #tpu.memory_space<hbm>>
        tpu.wait_dma2 semaphore(%arg17 : memref<!tpu.dma_semaphore, #tpu.memory_space<semaphore_mem>>) src(%arg12 : memref<200x64xf32, #tpu.memory_space<vmem>>) dst(%dma_wait3A_104 : memref<200x64xf32, #tpu.memory_space<hbm>>)
      } else {
      }
      %parallel_loop3A_54 = arith.constant 0 : i32
      %parallel_loop3A_55 = arith.constant 200 : i32
      %parallel_loop3A_56 = arith.constant 1 : i32
      scf.for %parallel_loop3A_99 = %parallel_loop3A_54 to %parallel_loop3A_55 step %parallel_loop3A_56  : i32 {
        %parallel_loop3A_100 = arith.index_cast %parallel_loop3A_99 : i32 to index
        %parallel_loop3A_101 = tpu.vector_load %arg6[%parallel_loop3A_100] {strides = array<i32>} : memref<216xi32, #tpu.memory_space<vmem>>, vector<16xi32>,
        %parallel_loop3A_102 = vector.shape_cast %parallel_loop3A_101 : vector<16xi32> to vector<16xi32>
        %parallel_loop3A_103 = vector.extract_strided_slice %parallel_loop3A_102 {offsets = [0], sizes = [1], strides = [1]} : vector<16xi32> to vector<1xi32>
        %parallel_loop3A_104 = vector.extract %parallel_loop3A_103[0] : i32 from vector<1xi32>
        %parallel_loop3A_105 = arith.constant 1 : i32
        %parallel_loop3A_106 = arith.andi %parallel_loop3A_104, %parallel_loop3A_105 : i32
        %parallel_loop3A_107 = arith.constant 64 : i32
        %parallel_loop3A_108 = arith.muli %parallel_loop3A_106, %parallel_loop3A_107 : i32
        %parallel_loop3A_109 = arith.constant 0 : i32
        %parallel_loop3A_110 = arith.addi %parallel_loop3A_108, %parallel_loop3A_109 : i32
        %parallel_loop3A_111 = arith.index_cast %parallel_loop3A_99 : i32 to index
        %parallel_loop3A_112 = arith.index_cast %parallel_loop3A_110 : i32 to index
        %parallel_loop3A_113 = tpu.vector_load %arg10[%parallel_loop3A_111, %parallel_loop3A_112] {strides = array<i32>} : memref<200x128xf32, #tpu.memory_space<vmem>>, vector<1x16xf32>,
        %parallel_loop3A_114 = vector.shape_cast %parallel_loop3A_113 : vector<1x16xf32> to vector<16xf32>
        %parallel_loop3A_115 = arith.constant 8.000000e+00 : f32
        %parallel_loop3A_116 = vector.broadcast %parallel_loop3A_115 : f32 to vector<16xf32>
        %parallel_loop3A_117 = arith.mulf %parallel_loop3A_114, %parallel_loop3A_116 : vector<16xf32>
        %parallel_loop3A_118 = arith.index_cast %parallel_loop3A_99 : i32 to index
        %parallel_loop3A_119 = arith.constant 0 : index
        %parallel_loop3A_120 = tpu.vector_load %arg14[%parallel_loop3A_118, %parallel_loop3A_119] {strides = array<i32>} : memref<200x64xf32, #tpu.memory_space<vmem>>, vector<1x16xf32>,
        %parallel_loop3A_121 = vector.shape_cast %parallel_loop3A_120 : vector<1x16xf32> to vector<16xf32>
        %parallel_loop3A_122 = arith.addf %parallel_loop3A_117, %parallel_loop3A_121 : vector<16xf32>
        %parallel_loop3A_123 = arith.index_cast %parallel_loop3A_99 : i32 to index
        %parallel_loop3A_124 = arith.constant 0 : index
        %parallel_loop3A_125 = tpu.vector_load %arg12[%parallel_loop3A_123, %parallel_loop3A_124] {strides = array<i32>} : memref<200x64xf32, #tpu.memory_space<vmem>>, vector<1x16xf32>,
        %parallel_loop3A_126 = vector.shape_cast %parallel_loop3A_125 : vector<1x16xf32> to vector<16xf32>
        %parallel_loop3A_127 = vector.shape_cast %parallel_loop3A_122 : vector<16xf32> to vector<1x16xf32>
        tpu.vector_store %arg12[%parallel_loop3A_123, %parallel_loop3A_124], %parallel_loop3A_127 {strides = array<i32>} : memref<200x64xf32, #tpu.memory_space<vmem>>, vector<1x16xf32>,
        %parallel_loop3A_128 = arith.constant 16 : i32
        %parallel_loop3A_129 = arith.addi %parallel_loop3A_108, %parallel_loop3A_128 : i32
        %parallel_loop3A_130 = arith.index_cast %parallel_loop3A_99 : i32 to index
        %parallel_loop3A_131 = arith.index_cast %parallel_loop3A_129 : i32 to index
        %parallel_loop3A_132 = tpu.vector_load %arg10[%parallel_loop3A_130, %parallel_loop3A_131] {strides = array<i32>} : memref<200x128xf32, #tpu.memory_space<vmem>>, vector<1x16xf32>,
        %parallel_loop3A_133 = vector.shape_cast %parallel_loop3A_132 : vector<1x16xf32> to vector<16xf32>
        %parallel_loop3A_134 = arith.constant 8.000000e+00 : f32
        %parallel_loop3A_135 = vector.broadcast %parallel_loop3A_134 : f32 to vector<16xf32>
        %parallel_loop3A_136 = arith.mulf %parallel_loop3A_133, %parallel_loop3A_135 : vector<16xf32>
        %parallel_loop3A_137 = arith.index_cast %parallel_loop3A_99 : i32 to index
        %parallel_loop3A_138 = arith.constant 16 : index
        %parallel_loop3A_139 = tpu.vector_load %arg14[%parallel_loop3A_137, %parallel_loop3A_138] {strides = array<i32>} : memref<200x64xf32, #tpu.memory_space<vmem>>, vector<1x16xf32>,
        %parallel_loop3A_140 = vector.shape_cast %parallel_loop3A_139 : vector<1x16xf32> to vector<16xf32>
        %parallel_loop3A_141 = arith.addf %parallel_loop3A_136, %parallel_loop3A_140 : vector<16xf32>
        %parallel_loop3A_142 = arith.index_cast %parallel_loop3A_99 : i32 to index
        %parallel_loop3A_143 = arith.constant 16 : index
        %parallel_loop3A_144 = tpu.vector_load %arg12[%parallel_loop3A_142, %parallel_loop3A_143] {strides = array<i32>} : memref<200x64xf32, #tpu.memory_space<vmem>>, vector<1x16xf32>,
        %parallel_loop3A_145 = vector.shape_cast %parallel_loop3A_144 : vector<1x16xf32> to vector<16xf32>
        %parallel_loop3A_146 = vector.shape_cast %parallel_loop3A_141 : vector<16xf32> to vector<1x16xf32>
        tpu.vector_store %arg12[%parallel_loop3A_142, %parallel_loop3A_143], %parallel_loop3A_146 {strides = array<i32>} : memref<200x64xf32, #tpu.memory_space<vmem>>, vector<1x16xf32>,
        %parallel_loop3A_147 = arith.constant 32 : i32
        %parallel_loop3A_148 = arith.addi %parallel_loop3A_108, %parallel_loop3A_147 : i32
        %parallel_loop3A_149 = arith.index_cast %parallel_loop3A_99 : i32 to index
        %parallel_loop3A_150 = arith.index_cast %parallel_loop3A_148 : i32 to index
        %parallel_loop3A_151 = tpu.vector_load %arg10[%parallel_loop3A_149, %parallel_loop3A_150] {strides = array<i32>} : memref<200x128xf32, #tpu.memory_space<vmem>>, vector<1x16xf32>,
        %parallel_loop3A_152 = vector.shape_cast %parallel_loop3A_151 : vector<1x16xf32> to vector<16xf32>
        %parallel_loop3A_153 = arith.constant 8.000000e+00 : f32
        %parallel_loop3A_154 = vector.broadcast %parallel_loop3A_153 : f32 to vector<16xf32>
        %parallel_loop3A_155 = arith.mulf %parallel_loop3A_152, %parallel_loop3A_154 : vector<16xf32>
        %parallel_loop3A_156 = arith.index_cast %parallel_loop3A_99 : i32 to index
        %parallel_loop3A_157 = arith.constant 32 : index
        %parallel_loop3A_158 = tpu.vector_load %arg14[%parallel_loop3A_156, %parallel_loop3A_157] {strides = array<i32>} : memref<200x64xf32, #tpu.memory_space<vmem>>, vector<1x16xf32>,
        %parallel_loop3A_159 = vector.shape_cast %parallel_loop3A_158 : vector<1x16xf32> to vector<16xf32>
        %parallel_loop3A_160 = arith.addf %parallel_loop3A_155, %parallel_loop3A_159 : vector<16xf32>
        %parallel_loop3A_161 = arith.index_cast %parallel_loop3A_99 : i32 to index
        %parallel_loop3A_162 = arith.constant 32 : index
        %parallel_loop3A_163 = tpu.vector_load %arg12[%parallel_loop3A_161, %parallel_loop3A_162] {strides = array<i32>} : memref<200x64xf32, #tpu.memory_space<vmem>>, vector<1x16xf32>,
        %parallel_loop3A_164 = vector.shape_cast %parallel_loop3A_163 : vector<1x16xf32> to vector<16xf32>
        %parallel_loop3A_165 = vector.shape_cast %parallel_loop3A_160 : vector<16xf32> to vector<1x16xf32>
        tpu.vector_store %arg12[%parallel_loop3A_161, %parallel_loop3A_162], %parallel_loop3A_165 {strides = array<i32>} : memref<200x64xf32, #tpu.memory_space<vmem>>, vector<1x16xf32>,
        %parallel_loop3A_166 = arith.constant 48 : i32
        %parallel_loop3A_167 = arith.addi %parallel_loop3A_108, %parallel_loop3A_166 : i32
        %parallel_loop3A_168 = arith.index_cast %parallel_loop3A_99 : i32 to index
        %parallel_loop3A_169 = arith.index_cast %parallel_loop3A_167 : i32 to index
        %parallel_loop3A_170 = tpu.vector_load %arg10[%parallel_loop3A_168, %parallel_loop3A_169] {strides = array<i32>} : memref<200x128xf32, #tpu.memory_space<vmem>>, vector<1x16xf32>,
        %parallel_loop3A_171 = vector.shape_cast %parallel_loop3A_170 : vector<1x16xf32> to vector<16xf32>
        %parallel_loop3A_172 = arith.constant 8.000000e+00 : f32
        %parallel_loop3A_173 = vector.broadcast %parallel_loop3A_172 : f32 to vector<16xf32>
        %parallel_loop3A_174 = arith.mulf %parallel_loop3A_171, %parallel_loop3A_173 : vector<16xf32>
        %parallel_loop3A_175 = arith.index_cast %parallel_loop3A_99 : i32 to index
        %parallel_loop3A_176 = arith.constant 48 : index
        %parallel_loop3A_177 = tpu.vector_load %arg14[%parallel_loop3A_175, %parallel_loop3A_176] {strides = array<i32>} : memref<200x64xf32, #tpu.memory_space<vmem>>, vector<1x16xf32>,
        %parallel_loop3A_178 = vector.shape_cast %parallel_loop3A_177 : vector<1x16xf32> to vector<16xf32>
        %parallel_loop3A_179 = arith.addf %parallel_loop3A_174, %parallel_loop3A_178 : vector<16xf32>
        %parallel_loop3A_180 = arith.index_cast %parallel_loop3A_99 : i32 to index
        %parallel_loop3A_181 = arith.constant 48 : index
        %parallel_loop3A_182 = tpu.vector_load %arg12[%parallel_loop3A_180, %parallel_loop3A_181] {strides = array<i32>} : memref<200x64xf32, #tpu.memory_space<vmem>>, vector<1x16xf32>,
        %parallel_loop3A_183 = vector.shape_cast %parallel_loop3A_182 : vector<1x16xf32> to vector<16xf32>
        %parallel_loop3A_184 = vector.shape_cast %parallel_loop3A_179 : vector<16xf32> to vector<1x16xf32>
        tpu.vector_store %arg12[%parallel_loop3A_180, %parallel_loop3A_181], %parallel_loop3A_184 {strides = array<i32>} : memref<200x64xf32, #tpu.memory_space<vmem>>, vector<1x16xf32>,
      } {sc.loop_unroll_factor = 2 : i64, sc.parallel_access}
      %add3A_57 = arith.addi %mul3A_2, %add3A_46 : i32
      %mul3A_58 = arith.constant 200 : i32
      %mul3A_59 = arith.muli %add3A_57, %mul3A_58 : i32
      %dma_start3A_60 = arith.constant 0 : i32
      %dma_start3A_61 = tpu.memref_slice %arg5[%mul3A_59, %dma_start3A_60] : memref<819200x64xf32, #tpu.memory_space<hbm>> -> memref<200x64xf32, #tpu.memory_space<hbm>>
      %dma_start3A_62 = arith.constant 0 : i32
      %dma_start3A_63 = tpu.memref_slice %arg5[%mul3A_59, %dma_start3A_62] : memref<819200x64xf32, #tpu.memory_space<hbm>> -> memref<200x64xf32, #tpu.memory_space<hbm>>
      tpu.enqueue_dma source(%arg12 : memref<200x64xf32, #tpu.memory_space<vmem>>) target(%dma_start3A_63 : memref<200x64xf32, #tpu.memory_space<hbm>>) target_semaphore(%arg17 : memref<!tpu.dma_semaphore, #tpu.memory_space<semaphore_mem>>)
      %add3A_64 = arith.constant 2 : i32
      %add3A_65 = arith.addi %add3A_46, %add3A_64 : i32
      %lt3A = arith.constant 128 : i32
      %lt3A_66 = arith.cmpi slt, %add3A_65, %lt3A : i32
      %convert_element_type3A_67 = arith.extui %lt3A_66 : i1 to i32
      %cond3A_68 = arith.constant 0 : i32
      %cond3A_69 = arith.cmpi ne, %convert_element_type3A_67, %cond3A_68 : i32
      scf.if %cond3A_69 {
        %add3A_99 = arith.constant 2 : i32
        %add3A_100 = arith.addi %add3A_46, %add3A_99 : i32
        %add3A_101 = arith.addi %mul3A_2, %add3A_100 : i32
        %mul3A_102 = arith.constant 200 : i32
        %mul3A_103 = arith.muli %add3A_101, %mul3A_102 : i32
        "tpu.region"() ({
          %run_scoped3A_112 = tpu.sem_alloc : memref<!tpu.dma_semaphore, #tpu.memory_space<semaphore_mem>>
          %dma_start3A_113 = arith.constant 0 : i32
          %dma_start3A_114 = tpu.memref_slice %arg6[%dma_start3A_113] : memref<216xi32, #tpu.memory_space<vmem>> -> memref<200xi32, #tpu.memory_space<vmem>>
          %dma_start3A_115 = tpu.memref_slice %arg2[%mul3A_103] : memref<819200xi32, #tpu.memory_space<hbm>> -> memref<200xi32, #tpu.memory_space<hbm>>
          %dma_start3A_116 = arith.constant 0 : i32
          %dma_start3A_117 = tpu.memref_slice %arg6[%dma_start3A_116] : memref<216xi32, #tpu.memory_space<vmem>> -> memref<200xi32, #tpu.memory_space<vmem>>
          %dma_start3A_118 = tpu.memref_slice %arg2[%mul3A_103] : memref<819200xi32, #tpu.memory_space<hbm>> -> memref<200xi32, #tpu.memory_space<hbm>>
          tpu.enqueue_dma source(%dma_start3A_118 : memref<200xi32, #tpu.memory_space<hbm>>) target(%dma_start3A_117 : memref<200xi32, #tpu.memory_space<vmem>>) target_semaphore(%run_scoped3A_112 : memref<!tpu.dma_semaphore, #tpu.memory_space<semaphore_mem>>)
          %dma_wait3A_119 = arith.constant 0 : i32
          %dma_wait3A_120 = tpu.memref_slice %arg6[%dma_wait3A_119] : memref<216xi32, #tpu.memory_space<vmem>> -> memref<200xi32, #tpu.memory_space<vmem>>
          %dma_wait3A_121 = tpu.memref_slice %arg2[%mul3A_103] : memref<819200xi32, #tpu.memory_space<hbm>> -> memref<200xi32, #tpu.memory_space<hbm>>
          %dma_wait3A_122 = arith.constant 0 : i32
          %dma_wait3A_123 = tpu.memref_slice %arg6[%dma_wait3A_122] : memref<216xi32, #tpu.memory_space<vmem>> -> memref<200xi32, #tpu.memory_space<vmem>>
          %dma_wait3A_124 = tpu.memref_slice %arg2[%mul3A_103] : memref<819200xi32, #tpu.memory_space<hbm>> -> memref<200xi32, #tpu.memory_space<hbm>>
          tpu.wait_dma2 semaphore(%run_scoped3A_112 : memref<!tpu.dma_semaphore, #tpu.memory_space<semaphore_mem>>) src(%dma_wait3A_124 : memref<200xi32, #tpu.memory_space<hbm>>) dst(%dma_wait3A_123 : memref<200xi32, #tpu.memory_space<vmem>>)
          tpu.yield
        }) : () -> ()
        %parallel_loop3A_104 = arith.constant 0 : i32
        %parallel_loop3A_105 = arith.constant 13 : i32
        %parallel_loop3A_106 = arith.constant 1 : i32
        scf.for %parallel_loop3A_112 = %parallel_loop3A_104 to %parallel_loop3A_105 step %parallel_loop3A_106  : i32 {
          %parallel_loop3A_113 = arith.constant 16 : i32
          %parallel_loop3A_114 = arith.muli %parallel_loop3A_112, %parallel_loop3A_113 : i32
          %parallel_loop3A_115 = arith.index_cast %parallel_loop3A_114 : i32 to index
          %parallel_loop3A_116 = tpu.vector_load %arg6[%parallel_loop3A_115] {strides = array<i32>} : memref<216xi32, #tpu.memory_space<vmem>>, vector<16xi32>,
          %parallel_loop3A_117 = vector.shape_cast %parallel_loop3A_116 : vector<16xi32> to vector<16xi32>
          %parallel_loop3A_118 = arith.constant 1 : i32
          %parallel_loop3A_119 = vector.broadcast %parallel_loop3A_118 : i32 to vector<16xi32>
          %parallel_loop3A_120 = arith.shrui %parallel_loop3A_117, %parallel_loop3A_119 : vector<16xi32>
          %parallel_loop3A_121 = arith.index_cast %parallel_loop3A_114 : i32 to index
          %parallel_loop3A_122 = tpu.vector_load %arg8[%parallel_loop3A_121] {strides = array<i32>} : memref<216xi32, #tpu.memory_space<vmem>>, vector<16xi32>,
          %parallel_loop3A_123 = vector.shape_cast %parallel_loop3A_122 : vector<16xi32> to vector<16xi32>
          %parallel_loop3A_124 = vector.shape_cast %parallel_loop3A_120 : vector<16xi32> to vector<16xi32>
          tpu.vector_store %arg8[%parallel_loop3A_121], %parallel_loop3A_124 {strides = array<i32>} : memref<216xi32, #tpu.memory_space<vmem>>, vector<16xi32>,
        } {sc.loop_unroll_factor = 1 : i64, sc.parallel_access}
        %dma_start3A_107 = arith.constant 0 : i32
        %dma_start3A_108 = tpu.memref_slice %arg8[%dma_start3A_107] : memref<216xi32, #tpu.memory_space<vmem>> -> memref<200xi32, #tpu.memory_space<vmem>>
        %dma_start3A_109 = arith.constant 0 : i32
        %dma_start3A_110 = arith.constant 0 : i32
        %dma_start3A_111 = tpu.memref_slice %arg3[%dma_start3A_109, %dma_start3A_110] : memref<500000x128xf32, #tpu.memory_space<hbm>> -> memref<500000x128xf32, #tpu.memory_space<hbm>>
        tpu.enqueue_indirect_dma source(%dma_start3A_111 : memref<500000x128xf32, #tpu.memory_space<hbm>>) target(%arg10 : memref<200x128xf32, #tpu.memory_space<vmem>>) offsets(%dma_start3A_108 : memref<200xi32, #tpu.memory_space<vmem>>) semaphore(%arg15 : memref<!tpu.dma_semaphore, #tpu.memory_space<semaphore_mem>>)
      } else {
      }
      %add3A_70 = arith.constant 1 : i32
      %add3A_71 = arith.addi %add3A_44, %add3A_70 : i32
      %dma_wait3A_72 = arith.constant 0 : i32
      %dma_wait3A_73 = tpu.memref_slice %arg9[%dma_wait3A_72] : memref<216xi32, #tpu.memory_space<vmem>> -> memref<200xi32, #tpu.memory_space<vmem>>
      %dma_wait3A_74 = arith.constant 0 : i32
      %dma_wait3A_75 = arith.constant 0 : i32
      %dma_wait3A_76 = tpu.memref_slice %arg3[%dma_wait3A_74, %dma_wait3A_75] : memref<500000x128xf32, #tpu.memory_space<hbm>> -> memref<500000x128xf32, #tpu.memory_space<hbm>>
      tpu.wait_indirect_dma semaphore(%arg16 : memref<!tpu.dma_semaphore, #tpu.memory_space<semaphore_mem>>) src(%dma_wait3A_76 : memref<500000x128xf32, #tpu.memory_space<hbm>>) dst(%arg11 : memref<200x128xf32, #tpu.memory_space<vmem>>)
      %ge3A_77 = arith.constant 2 : i32
      %ge3A_78 = arith.cmpi sge, %add3A_71, %ge3A_77 : i32
      %convert_element_type3A_79 = arith.extui %ge3A_78 : i1 to i32
      %cond3A_80 = arith.constant 0 : i32
      %cond3A_81 = arith.cmpi ne, %convert_element_type3A_79, %cond3A_80 : i32
      scf.if %cond3A_81 {
        %dma_wait3A_99 = arith.constant 0 : i32
        %dma_wait3A_100 = arith.constant 0 : i32
        %dma_wait3A_101 = tpu.memref_slice %arg5[%dma_wait3A_99, %dma_wait3A_100] : memref<819200x64xf32, #tpu.memory_space<hbm>> -> memref<200x64xf32, #tpu.memory_space<hbm>>
        %dma_wait3A_102 = arith.constant 0 : i32
        %dma_wait3A_103 = arith.constant 0 : i32
        %dma_wait3A_104 = tpu.memref_slice %arg5[%dma_wait3A_102, %dma_wait3A_103] : memref<819200x64xf32, #tpu.memory_space<hbm>> -> memref<200x64xf32, #tpu.memory_space<hbm>>
        tpu.wait_dma2 semaphore(%arg18 : memref<!tpu.dma_semaphore, #tpu.memory_space<semaphore_mem>>) src(%arg13 : memref<200x64xf32, #tpu.memory_space<vmem>>) dst(%dma_wait3A_104 : memref<200x64xf32, #tpu.memory_space<hbm>>)
      } else {
      }
      %parallel_loop3A_82 = arith.constant 0 : i32
      %parallel_loop3A_83 = arith.constant 200 : i32
      %parallel_loop3A_84 = arith.constant 1 : i32
      scf.for %parallel_loop3A_99 = %parallel_loop3A_82 to %parallel_loop3A_83 step %parallel_loop3A_84  : i32 {
        %parallel_loop3A_100 = arith.index_cast %parallel_loop3A_99 : i32 to index
        %parallel_loop3A_101 = tpu.vector_load %arg7[%parallel_loop3A_100] {strides = array<i32>} : memref<216xi32, #tpu.memory_space<vmem>>, vector<16xi32>,
        %parallel_loop3A_102 = vector.shape_cast %parallel_loop3A_101 : vector<16xi32> to vector<16xi32>
        %parallel_loop3A_103 = vector.extract_strided_slice %parallel_loop3A_102 {offsets = [0], sizes = [1], strides = [1]} : vector<16xi32> to vector<1xi32>
        %parallel_loop3A_104 = vector.extract %parallel_loop3A_103[0] : i32 from vector<1xi32>
        %parallel_loop3A_105 = arith.constant 1 : i32
        %parallel_loop3A_106 = arith.andi %parallel_loop3A_104, %parallel_loop3A_105 : i32
        %parallel_loop3A_107 = arith.constant 64 : i32
        %parallel_loop3A_108 = arith.muli %parallel_loop3A_106, %parallel_loop3A_107 : i32
        %parallel_loop3A_109 = arith.constant 0 : i32
        %parallel_loop3A_110 = arith.addi %parallel_loop3A_108, %parallel_loop3A_109 : i32
        %parallel_loop3A_111 = arith.index_cast %parallel_loop3A_99 : i32 to index
        %parallel_loop3A_112 = arith.index_cast %parallel_loop3A_110 : i32 to index
        %parallel_loop3A_113 = tpu.vector_load %arg11[%parallel_loop3A_111, %parallel_loop3A_112] {strides = array<i32>} : memref<200x128xf32, #tpu.memory_space<vmem>>, vector<1x16xf32>,
        %parallel_loop3A_114 = vector.shape_cast %parallel_loop3A_113 : vector<1x16xf32> to vector<16xf32>
        %parallel_loop3A_115 = arith.constant 8.000000e+00 : f32
        %parallel_loop3A_116 = vector.broadcast %parallel_loop3A_115 : f32 to vector<16xf32>
        %parallel_loop3A_117 = arith.mulf %parallel_loop3A_114, %parallel_loop3A_116 : vector<16xf32>
        %parallel_loop3A_118 = arith.index_cast %parallel_loop3A_99 : i32 to index
        %parallel_loop3A_119 = arith.constant 0 : index
        %parallel_loop3A_120 = tpu.vector_load %arg14[%parallel_loop3A_118, %parallel_loop3A_119] {strides = array<i32>} : memref<200x64xf32, #tpu.memory_space<vmem>>, vector<1x16xf32>,
        %parallel_loop3A_121 = vector.shape_cast %parallel_loop3A_120 : vector<1x16xf32> to vector<16xf32>
        %parallel_loop3A_122 = arith.addf %parallel_loop3A_117, %parallel_loop3A_121 : vector<16xf32>
        %parallel_loop3A_123 = arith.index_cast %parallel_loop3A_99 : i32 to index
        %parallel_loop3A_124 = arith.constant 0 : index
        %parallel_loop3A_125 = tpu.vector_load %arg13[%parallel_loop3A_123, %parallel_loop3A_124] {strides = array<i32>} : memref<200x64xf32, #tpu.memory_space<vmem>>, vector<1x16xf32>,
        %parallel_loop3A_126 = vector.shape_cast %parallel_loop3A_125 : vector<1x16xf32> to vector<16xf32>
        %parallel_loop3A_127 = vector.shape_cast %parallel_loop3A_122 : vector<16xf32> to vector<1x16xf32>
        tpu.vector_store %arg13[%parallel_loop3A_123, %parallel_loop3A_124], %parallel_loop3A_127 {strides = array<i32>} : memref<200x64xf32, #tpu.memory_space<vmem>>, vector<1x16xf32>,
        %parallel_loop3A_128 = arith.constant 16 : i32
        %parallel_loop3A_129 = arith.addi %parallel_loop3A_108, %parallel_loop3A_128 : i32
        %parallel_loop3A_130 = arith.index_cast %parallel_loop3A_99 : i32 to index
        %parallel_loop3A_131 = arith.index_cast %parallel_loop3A_129 : i32 to index
        %parallel_loop3A_132 = tpu.vector_load %arg11[%parallel_loop3A_130, %parallel_loop3A_131] {strides = array<i32>} : memref<200x128xf32, #tpu.memory_space<vmem>>, vector<1x16xf32>,
        %parallel_loop3A_133 = vector.shape_cast %parallel_loop3A_132 : vector<1x16xf32> to vector<16xf32>
        %parallel_loop3A_134 = arith.constant 8.000000e+00 : f32
        %parallel_loop3A_135 = vector.broadcast %parallel_loop3A_134 : f32 to vector<16xf32>
        %parallel_loop3A_136 = arith.mulf %parallel_loop3A_133, %parallel_loop3A_135 : vector<16xf32>
        %parallel_loop3A_137 = arith.index_cast %parallel_loop3A_99 : i32 to index
        %parallel_loop3A_138 = arith.constant 16 : index
        %parallel_loop3A_139 = tpu.vector_load %arg14[%parallel_loop3A_137, %parallel_loop3A_138] {strides = array<i32>} : memref<200x64xf32, #tpu.memory_space<vmem>>, vector<1x16xf32>,
        %parallel_loop3A_140 = vector.shape_cast %parallel_loop3A_139 : vector<1x16xf32> to vector<16xf32>
        %parallel_loop3A_141 = arith.addf %parallel_loop3A_136, %parallel_loop3A_140 : vector<16xf32>
        %parallel_loop3A_142 = arith.index_cast %parallel_loop3A_99 : i32 to index
        %parallel_loop3A_143 = arith.constant 16 : index
        %parallel_loop3A_144 = tpu.vector_load %arg13[%parallel_loop3A_142, %parallel_loop3A_143] {strides = array<i32>} : memref<200x64xf32, #tpu.memory_space<vmem>>, vector<1x16xf32>,
        %parallel_loop3A_145 = vector.shape_cast %parallel_loop3A_144 : vector<1x16xf32> to vector<16xf32>
        %parallel_loop3A_146 = vector.shape_cast %parallel_loop3A_141 : vector<16xf32> to vector<1x16xf32>
        tpu.vector_store %arg13[%parallel_loop3A_142, %parallel_loop3A_143], %parallel_loop3A_146 {strides = array<i32>} : memref<200x64xf32, #tpu.memory_space<vmem>>, vector<1x16xf32>,
        %parallel_loop3A_147 = arith.constant 32 : i32
        %parallel_loop3A_148 = arith.addi %parallel_loop3A_108, %parallel_loop3A_147 : i32
        %parallel_loop3A_149 = arith.index_cast %parallel_loop3A_99 : i32 to index
        %parallel_loop3A_150 = arith.index_cast %parallel_loop3A_148 : i32 to index
        %parallel_loop3A_151 = tpu.vector_load %arg11[%parallel_loop3A_149, %parallel_loop3A_150] {strides = array<i32>} : memref<200x128xf32, #tpu.memory_space<vmem>>, vector<1x16xf32>,
        %parallel_loop3A_152 = vector.shape_cast %parallel_loop3A_151 : vector<1x16xf32> to vector<16xf32>
        %parallel_loop3A_153 = arith.constant 8.000000e+00 : f32
        %parallel_loop3A_154 = vector.broadcast %parallel_loop3A_153 : f32 to vector<16xf32>
        %parallel_loop3A_155 = arith.mulf %parallel_loop3A_152, %parallel_loop3A_154 : vector<16xf32>
        %parallel_loop3A_156 = arith.index_cast %parallel_loop3A_99 : i32 to index
        %parallel_loop3A_157 = arith.constant 32 : index
        %parallel_loop3A_158 = tpu.vector_load %arg14[%parallel_loop3A_156, %parallel_loop3A_157] {strides = array<i32>} : memref<200x64xf32, #tpu.memory_space<vmem>>, vector<1x16xf32>,
        %parallel_loop3A_159 = vector.shape_cast %parallel_loop3A_158 : vector<1x16xf32> to vector<16xf32>
        %parallel_loop3A_160 = arith.addf %parallel_loop3A_155, %parallel_loop3A_159 : vector<16xf32>
        %parallel_loop3A_161 = arith.index_cast %parallel_loop3A_99 : i32 to index
        %parallel_loop3A_162 = arith.constant 32 : index
        %parallel_loop3A_163 = tpu.vector_load %arg13[%parallel_loop3A_161, %parallel_loop3A_162] {strides = array<i32>} : memref<200x64xf32, #tpu.memory_space<vmem>>, vector<1x16xf32>,
        %parallel_loop3A_164 = vector.shape_cast %parallel_loop3A_163 : vector<1x16xf32> to vector<16xf32>
        %parallel_loop3A_165 = vector.shape_cast %parallel_loop3A_160 : vector<16xf32> to vector<1x16xf32>
        tpu.vector_store %arg13[%parallel_loop3A_161, %parallel_loop3A_162], %parallel_loop3A_165 {strides = array<i32>} : memref<200x64xf32, #tpu.memory_space<vmem>>, vector<1x16xf32>,
        %parallel_loop3A_166 = arith.constant 48 : i32
        %parallel_loop3A_167 = arith.addi %parallel_loop3A_108, %parallel_loop3A_166 : i32
        %parallel_loop3A_168 = arith.index_cast %parallel_loop3A_99 : i32 to index
        %parallel_loop3A_169 = arith.index_cast %parallel_loop3A_167 : i32 to index
        %parallel_loop3A_170 = tpu.vector_load %arg11[%parallel_loop3A_168, %parallel_loop3A_169] {strides = array<i32>} : memref<200x128xf32, #tpu.memory_space<vmem>>, vector<1x16xf32>,
        %parallel_loop3A_171 = vector.shape_cast %parallel_loop3A_170 : vector<1x16xf32> to vector<16xf32>
        %parallel_loop3A_172 = arith.constant 8.000000e+00 : f32
        %parallel_loop3A_173 = vector.broadcast %parallel_loop3A_172 : f32 to vector<16xf32>
        %parallel_loop3A_174 = arith.mulf %parallel_loop3A_171, %parallel_loop3A_173 : vector<16xf32>
        %parallel_loop3A_175 = arith.index_cast %parallel_loop3A_99 : i32 to index
        %parallel_loop3A_176 = arith.constant 48 : index
        %parallel_loop3A_177 = tpu.vector_load %arg14[%parallel_loop3A_175, %parallel_loop3A_176] {strides = array<i32>} : memref<200x64xf32, #tpu.memory_space<vmem>>, vector<1x16xf32>,
        %parallel_loop3A_178 = vector.shape_cast %parallel_loop3A_177 : vector<1x16xf32> to vector<16xf32>
        %parallel_loop3A_179 = arith.addf %parallel_loop3A_174, %parallel_loop3A_178 : vector<16xf32>
        %parallel_loop3A_180 = arith.index_cast %parallel_loop3A_99 : i32 to index
        %parallel_loop3A_181 = arith.constant 48 : index
        %parallel_loop3A_182 = tpu.vector_load %arg13[%parallel_loop3A_180, %parallel_loop3A_181] {strides = array<i32>} : memref<200x64xf32, #tpu.memory_space<vmem>>, vector<1x16xf32>,
        %parallel_loop3A_183 = vector.shape_cast %parallel_loop3A_182 : vector<1x16xf32> to vector<16xf32>
        %parallel_loop3A_184 = vector.shape_cast %parallel_loop3A_179 : vector<16xf32> to vector<1x16xf32>
        tpu.vector_store %arg13[%parallel_loop3A_180, %parallel_loop3A_181], %parallel_loop3A_184 {strides = array<i32>} : memref<200x64xf32, #tpu.memory_space<vmem>>, vector<1x16xf32>,
      } {sc.loop_unroll_factor = 2 : i64, sc.parallel_access}
      %add3A_85 = arith.addi %mul3A_2, %add3A_71 : i32
      %mul3A_86 = arith.constant 200 : i32
      %mul3A_87 = arith.muli %add3A_85, %mul3A_86 : i32
      %dma_start3A_88 = arith.constant 0 : i32
      %dma_start3A_89 = tpu.memref_slice %arg5[%mul3A_87, %dma_start3A_88] : memref<819200x64xf32, #tpu.memory_space<hbm>> -> memref<200x64xf32, #tpu.memory_space<hbm>>
      %dma_start3A_90 = arith.constant 0 : i32
      %dma_start3A_91 = tpu.memref_slice %arg5[%mul3A_87, %dma_start3A_90] : memref<819200x64xf32, #tpu.memory_space<hbm>> -> memref<200x64xf32, #tpu.memory_space<hbm>>
      tpu.enqueue_dma source(%arg13 : memref<200x64xf32, #tpu.memory_space<vmem>>) target(%dma_start3A_91 : memref<200x64xf32, #tpu.memory_space<hbm>>) target_semaphore(%arg18 : memref<!tpu.dma_semaphore, #tpu.memory_space<semaphore_mem>>)
      %add3A_92 = arith.constant 2 : i32
      %add3A_93 = arith.addi %add3A_71, %add3A_92 : i32
      %lt3A_94 = arith.constant 128 : i32
      %lt3A_95 = arith.cmpi slt, %add3A_93, %lt3A_94 : i32
      %convert_element_type3A_96 = arith.extui %lt3A_95 : i1 to i32
      %cond3A_97 = arith.constant 0 : i32
      %cond3A_98 = arith.cmpi ne, %convert_element_type3A_96, %cond3A_97 : i32
      scf.if %cond3A_98 {
        %add3A_99 = arith.constant 2 : i32
        %add3A_100 = arith.addi %add3A_71, %add3A_99 : i32
        %add3A_101 = arith.addi %mul3A_2, %add3A_100 : i32
        %mul3A_102 = arith.constant 200 : i32
        %mul3A_103 = arith.muli %add3A_101, %mul3A_102 : i32
        "tpu.region"() ({
          %run_scoped3A_112 = tpu.sem_alloc : memref<!tpu.dma_semaphore, #tpu.memory_space<semaphore_mem>>
          %dma_start3A_113 = arith.constant 0 : i32
          %dma_start3A_114 = tpu.memref_slice %arg7[%dma_start3A_113] : memref<216xi32, #tpu.memory_space<vmem>> -> memref<200xi32, #tpu.memory_space<vmem>>
          %dma_start3A_115 = tpu.memref_slice %arg2[%mul3A_103] : memref<819200xi32, #tpu.memory_space<hbm>> -> memref<200xi32, #tpu.memory_space<hbm>>
          %dma_start3A_116 = arith.constant 0 : i32
          %dma_start3A_117 = tpu.memref_slice %arg7[%dma_start3A_116] : memref<216xi32, #tpu.memory_space<vmem>> -> memref<200xi32, #tpu.memory_space<vmem>>
          %dma_start3A_118 = tpu.memref_slice %arg2[%mul3A_103] : memref<819200xi32, #tpu.memory_space<hbm>> -> memref<200xi32, #tpu.memory_space<hbm>>
          tpu.enqueue_dma source(%dma_start3A_118 : memref<200xi32, #tpu.memory_space<hbm>>) target(%dma_start3A_117 : memref<200xi32, #tpu.memory_space<vmem>>) target_semaphore(%run_scoped3A_112 : memref<!tpu.dma_semaphore, #tpu.memory_space<semaphore_mem>>)
          %dma_wait3A_119 = arith.constant 0 : i32
          %dma_wait3A_120 = tpu.memref_slice %arg7[%dma_wait3A_119] : memref<216xi32, #tpu.memory_space<vmem>> -> memref<200xi32, #tpu.memory_space<vmem>>
          %dma_wait3A_121 = tpu.memref_slice %arg2[%mul3A_103] : memref<819200xi32, #tpu.memory_space<hbm>> -> memref<200xi32, #tpu.memory_space<hbm>>
          %dma_wait3A_122 = arith.constant 0 : i32
          %dma_wait3A_123 = tpu.memref_slice %arg7[%dma_wait3A_122] : memref<216xi32, #tpu.memory_space<vmem>> -> memref<200xi32, #tpu.memory_space<vmem>>
          %dma_wait3A_124 = tpu.memref_slice %arg2[%mul3A_103] : memref<819200xi32, #tpu.memory_space<hbm>> -> memref<200xi32, #tpu.memory_space<hbm>>
          tpu.wait_dma2 semaphore(%run_scoped3A_112 : memref<!tpu.dma_semaphore, #tpu.memory_space<semaphore_mem>>) src(%dma_wait3A_124 : memref<200xi32, #tpu.memory_space<hbm>>) dst(%dma_wait3A_123 : memref<200xi32, #tpu.memory_space<vmem>>)
          tpu.yield
        }) : () -> ()
        %parallel_loop3A_104 = arith.constant 0 : i32
        %parallel_loop3A_105 = arith.constant 13 : i32
        %parallel_loop3A_106 = arith.constant 1 : i32
        scf.for %parallel_loop3A_112 = %parallel_loop3A_104 to %parallel_loop3A_105 step %parallel_loop3A_106  : i32 {
          %parallel_loop3A_113 = arith.constant 16 : i32
          %parallel_loop3A_114 = arith.muli %parallel_loop3A_112, %parallel_loop3A_113 : i32
          %parallel_loop3A_115 = arith.index_cast %parallel_loop3A_114 : i32 to index
          %parallel_loop3A_116 = tpu.vector_load %arg7[%parallel_loop3A_115] {strides = array<i32>} : memref<216xi32, #tpu.memory_space<vmem>>, vector<16xi32>,
          %parallel_loop3A_117 = vector.shape_cast %parallel_loop3A_116 : vector<16xi32> to vector<16xi32>
          %parallel_loop3A_118 = arith.constant 1 : i32
          %parallel_loop3A_119 = vector.broadcast %parallel_loop3A_118 : i32 to vector<16xi32>
          %parallel_loop3A_120 = arith.shrui %parallel_loop3A_117, %parallel_loop3A_119 : vector<16xi32>
          %parallel_loop3A_121 = arith.index_cast %parallel_loop3A_114 : i32 to index
          %parallel_loop3A_122 = tpu.vector_load %arg9[%parallel_loop3A_121] {strides = array<i32>} : memref<216xi32, #tpu.memory_space<vmem>>, vector<16xi32>,
          %parallel_loop3A_123 = vector.shape_cast %parallel_loop3A_122 : vector<16xi32> to vector<16xi32>
          %parallel_loop3A_124 = vector.shape_cast %parallel_loop3A_120 : vector<16xi32> to vector<16xi32>
          tpu.vector_store %arg9[%parallel_loop3A_121], %parallel_loop3A_124 {strides = array<i32>} : memref<216xi32, #tpu.memory_space<vmem>>, vector<16xi32>,
        } {sc.loop_unroll_factor = 1 : i64, sc.parallel_access}
        %dma_start3A_107 = arith.constant 0 : i32
        %dma_start3A_108 = tpu.memref_slice %arg9[%dma_start3A_107] : memref<216xi32, #tpu.memory_space<vmem>> -> memref<200xi32, #tpu.memory_space<vmem>>
        %dma_start3A_109 = arith.constant 0 : i32
        %dma_start3A_110 = arith.constant 0 : i32
        %dma_start3A_111 = tpu.memref_slice %arg3[%dma_start3A_109, %dma_start3A_110] : memref<500000x128xf32, #tpu.memory_space<hbm>> -> memref<500000x128xf32, #tpu.memory_space<hbm>>
        tpu.enqueue_indirect_dma source(%dma_start3A_111 : memref<500000x128xf32, #tpu.memory_space<hbm>>) target(%arg11 : memref<200x128xf32, #tpu.memory_space<vmem>>) offsets(%dma_start3A_108 : memref<200xi32, #tpu.memory_space<vmem>>) semaphore(%arg16 : memref<!tpu.dma_semaphore, #tpu.memory_space<semaphore_mem>>)
      } else {
      }
    }
    %scan3A_28 = arith.constant 64 : i32
    %dma_wait3A = arith.constant 0 : i32
    %dma_wait3A_29 = arith.constant 0 : i32
    %dma_wait3A_30 = tpu.memref_slice %arg5[%dma_wait3A, %dma_wait3A_29] : memref<819200x64xf32, #tpu.memory_space<hbm>> -> memref<200x64xf32, #tpu.memory_space<hbm>>
    %dma_wait3A_31 = arith.constant 0 : i32
    %dma_wait3A_32 = arith.constant 0 : i32
    %dma_wait3A_33 = tpu.memref_slice %arg5[%dma_wait3A_31, %dma_wait3A_32] : memref<819200x64xf32, #tpu.memory_space<hbm>> -> memref<200x64xf32, #tpu.memory_space<hbm>>
    tpu.wait_dma2 semaphore(%arg17 : memref<!tpu.dma_semaphore, #tpu.memory_space<semaphore_mem>>) src(%arg12 : memref<200x64xf32, #tpu.memory_space<vmem>>) dst(%dma_wait3A_33 : memref<200x64xf32, #tpu.memory_space<hbm>>)
    %dma_wait3A_34 = arith.constant 0 : i32
    %dma_wait3A_35 = arith.constant 0 : i32
    %dma_wait3A_36 = tpu.memref_slice %arg5[%dma_wait3A_34, %dma_wait3A_35] : memref<819200x64xf32, #tpu.memory_space<hbm>> -> memref<200x64xf32, #tpu.memory_space<hbm>>
    %dma_wait3A_37 = arith.constant 0 : i32
    %dma_wait3A_38 = arith.constant 0 : i32
    %dma_wait3A_39 = tpu.memref_slice %arg5[%dma_wait3A_37, %dma_wait3A_38] : memref<819200x64xf32, #tpu.memory_space<hbm>> -> memref<200x64xf32, #tpu.memory_space<hbm>>
    tpu.wait_dma2 semaphore(%arg18 : memref<!tpu.dma_semaphore, #tpu.memory_space<semaphore_mem>>) src(%arg13 : memref<200x64xf32, #tpu.memory_space<vmem>>) dst(%dma_wait3A_39 : memref<200x64xf32, #tpu.memory_space<hbm>>)
    return
  }
}

</mosaic_0001>

<sc_bundles>
// kernel: kernel.3.cloned.1.call-start
scs
__scs_entry_jumppad:
0x0: {  	(pc) =	sbr.rel $0x88, $3  }
0x1: {  	(tag) =	ssettag $0x0;
	lr =	simm.s32 $0x1  }
0x2: {  	[smem:$0x3F9E] =	sst lr;
	_ =	strace $0xD0000000  }
0x3: {  	_ = 	snop  }
0x4: {  	_ = 	snop  }
0x5: {  	_ = 	snop  }
0x6: {  	_ = 	snop  }
0x7: {  	_ = 	snop  }
__scs_overlays_trampoline_lowered:
0x8: {  	[smem:$0x3FAD] =	sst s0  }
0x9: {  	[smem:$0x3FAE] =	sst s1  }
0xa: {  	[smem:$0x3FAF] =	sst s2  }
0xb: {  	[smem:$0x3FB0] =	sst s3  }
0xc: {  	[smem:$0x3FB1] =	sst s4  }
0xd: {  	[smem:$0x3FB2] =	sst s5  }
0xe: {  	[smem:$0x3FB3] =	sst s6  }
0xf: {  	[smem:$0x3FB4] =	sst s7  }
0x10: {  	[smem:$0x3FB5] =	sst s8  }
0x11: {  	[smem:$0x3FB6] =	sst s9;
	s0 =	simm.s32 @!p0 $0x0  }
0x12: {  	s1 =	sld [smem:$0x3F9C];
	s0 =	simm.s32 @p0 $0x1  }
0x13: {  	[smem:$0x3FB7] =	sst s0;
	s0 =	simm.s32 @!p1 $0x0  }
0x14: {  	s2 =	sld [smem:$0x3F9B];
	s0 =	simm.s32 @p1 $0x1  }
0x15: {  	[smem:$0x3FB8] =	sst s0;
	s0 =	simm.s32 @!p2 $0x0  }
0x16: {  	s3 =	sld [smem:$0x3FDB];
	s0 =	simm.s32 @p2 $0x1  }
0x17: {  	s4 =	simm.s32 $0x1BF5;
	[smem:$0x3FBA] =	sst s0  }
0x18: {  	s0 =	sld [smem:$0x3F9D];
	_ =	swait.ge [sflag:s4], $0x0  }
0x19: {  	s7 =	sld [smem:$0x3F9E]  }
0x1a: {  	s8 =	sadd.s32 $0xFFFFE003, lr  }
0x1b: {  	s9 =	sadd.s32 $0xFFFFFEF7, lr;
	s5 =	simm.s32 $0xFFFFFFFF;
	p2 =	slt.u32 s8, $0xFFFFF086  }
0x1c: {  	p1 =	slt.u32 s9, $0xF7A;
	s5 =	simm.s32 @!p2 $0x0  }
0x1d: {  	s5 =	simm.s32 @p1 $0x1;
	p0 =	seq.s32 s7, s2  }
0x1e: {  	s7 =	smul.u32 @!p0 $0xF7A, s2;
	p2 =	seq.s32 @!p0 s5, $0x0  }
0x1f: {  	s9 =	smul.u32 $0xF7A, s1;
	s8 =	simm.s32 @!p0 $0x1BF5;
	p2 =	por !p2, p0  }
0x20: {  	[sflag:s8] =	ssyncset.s32 @!p0 $0xFFFFF086;
	s6 =	sadd.s32 @!p0 s3, s7;
	s7 =	simm.s32 @!p0 $0x108  }
0x21: {  	s3 =	sadd.s32 s3, s9;
	s6 =	sadd.s32 @!p0 $0x88, s6;
	s7 =	simm.s32 @p2 $0x1082  }
0x22: {  	[simem:s7], [sflag:s8] =	dma.local @!p0 [hbm:s6], $0xF7A  }
0x23: {  	s9 =	sor.u32 $0xD0000000, s2;
	s6 =	simm.s32 $0x108;
	_ =	swait.ge @!p0 [sflag:s8], $0x0  }
0x24: {  	s3 =	sadd.s32 $0x88, s3;
	s6 =	simm.s32 @!p1 $0x1082;
	[sflag:s4] =	ssyncset.s32 $0xFFFFF086  }
0x25: {  	[simem:s6], [sflag:s4] =	dma.local [hbm:s3], $0xF7A  }
0x26: {  	[smem:$0x3F9E] =	sst s1;
	(tag) =	ssettag s2;
	_ =	strace s9  }
0x27: {  	s1 =	sld [smem:$0x3FAE]  }
0x28: {  	s2 =	sld [smem:$0x3FAF]  }
0x29: {  	s4 =	sld [smem:$0x3FB1]  }
0x2a: {  	p0 =	seq.s32 s5, $0x0;
	s5 =	sld [smem:$0x3FB2]  }
0x2b: {  	s6 =	sld [smem:$0x3FB3]  }
0x2c: {  	s7 =	sld [smem:$0x3FB4]  }
0x2d: {  	s3 =	simm.s32 $0x108;
	s8 =	sld [smem:$0x3FB5]  }
0x2e: {  	s3 =	simm.s32 @!p0 $0x1082;
	s9 =	sld [smem:$0x3FB6]  }
0x2f: {  	lr =	sadd.s32 s0, s3;
	s0 =	sld [smem:$0x3FAD]  }
0x30: {  	s3 =	sld [smem:$0x3FB0]  }
0x31: {  	[smem:$0x3FB9] =	sst s10  }
0x32: {  	s10 =	sld [smem:$0x3FB7];
	_ =	sdelay $0x3  }
0x33: {  	p0 =	seq.s32 s10, $0x1;
	s10 =	sld [smem:$0x3FB9];
	_ =	sdelay $0x3  }
0x34: {  	[smem:$0x3FB9] =	sst s10  }
0x35: {  	s10 =	sld [smem:$0x3FB8];
	_ =	sdelay $0x3  }
0x36: {  	p1 =	seq.s32 s10, $0x1;
	s10 =	sld [smem:$0x3FB9];
	_ =	sdelay $0x3  }
0x37: {  	[smem:$0x3FB9] =	sst s10  }
0x38: {  	s10 =	sld [smem:$0x3FBA]  }
0x39: {  	_ = 	snop;
	(pc) =	sbr.ind lr, $3  }
0x3a: {  	_ = 	snop  }
0x3b: {  	_ = 	snop  }
0x3c: {  	p2 =	seq.s32 s10, $0x1;
	s10 =	sld [smem:$0x3FB9]  }
0x3d: {  	_ =	shalt  }
0x3e: {  	_ =	shalt  }
0x3f: {  	_ =	shalt  }
0x40: {  	_ =	shalt  }
0x41: {  	_ =	shalt  }
0x42: {  	_ =	shalt  }
0x43: {  	_ =	shalt  }
0x44: {  	_ =	shalt  }
0x45: {  	_ =	shalt  }
0x46: {  	_ =	shalt  }
0x47: {  	_ =	shalt  }
0x48: {  	_ =	shalt  }
0x49: {  	_ =	shalt  }
0x4a: {  	_ =	shalt  }
0x4b: {  	_ =	shalt  }
0x4c: {  	_ =	shalt  }
0x4d: {  	_ =	shalt  }
0x4e: {  	_ =	shalt  }
0x4f: {  	_ =	shalt  }
0x50: {  	_ =	shalt  }
0x51: {  	_ =	shalt  }
0x52: {  	_ =	shalt  }
0x53: {  	_ =	shalt  }
0x54: {  	_ =	shalt  }
0x55: {  	_ =	shalt  }
0x56: {  	_ =	shalt  }
0x57: {  	_ =	shalt  }
0x58: {  	_ =	shalt  }
0x59: {  	_ =	shalt  }
0x5a: {  	_ =	shalt  }
0x5b: {  	_ =	shalt  }
0x5c: {  	_ =	shalt  }
0x5d: {  	_ =	shalt  }
0x5e: {  	_ =	shalt  }
0x5f: {  	_ =	shalt  }
0x60: {  	_ =	shalt  }
0x61: {  	_ =	shalt  }
0x62: {  	_ =	shalt  }
0x63: {  	_ =	shalt  }
0x64: {  	_ =	shalt  }
0x65: {  	_ =	shalt  }
0x66: {  	_ =	shalt  }
0x67: {  	_ =	shalt  }
0x68: {  	_ =	shalt  }
0x69: {  	_ =	shalt  }
0x6a: {  	_ =	shalt  }
0x6b: {  	_ =	shalt  }
0x6c: {  	_ =	shalt  }
0x6d: {  	_ =	shalt  }
0x6e: {  	_ =	shalt  }
0x6f: {  	_ =	shalt  }
0x70: {  	_ =	shalt  }
0x71: {  	_ =	shalt  }
0x72: {  	_ =	shalt  }
0x73: {  	_ =	shalt  }
0x74: {  	_ =	shalt  }
0x75: {  	_ =	shalt  }
0x76: {  	_ =	shalt  }
0x77: {  	_ =	shalt  }
0x78: {  	_ =	shalt  }
0x79: {  	_ =	shalt  }
0x7a: {  	_ =	shalt  }
0x7b: {  	_ =	shalt  }
0x7c: {  	_ =	shalt  }
0x7d: {  	_ =	shalt  }
0x7e: {  	_ =	shalt  }
0x7f: {  	_ =	shalt  }
0x80: {  	_ =	shalt  }
0x81: {  	_ =	shalt  }
0x82: {  	_ =	shalt  }
0x83: {  	_ =	shalt  }
0x84: {  	_ =	shalt  }
0x85: {  	_ =	shalt  }
0x86: {  	_ =	shalt  }
0x87: {  	_ =	shalt  }
.Lfunc_end0:
.L_simem_size_0:
called_computation.1_lowered:
.L_overlay_start_0:
0x88: {  	s2 =	sld [smem:$0x3FD9]  }
0x89: {  	s3 =	sld [smem:$0x3FFE];
	_ =	sdelay $0x1  }
0x8a: {  	s1 =	srdreg.scid  }
0x8b: {  	s0 =	sand.u32 $0x1, s1  }
0x8c: {  	s17 =	sshll.u32 s0, $0xA;
	s2 =	sadd.s32 s3, s2  }
0x8d: {  	s2 =	sadd.s32 s2, s17  }
0x8e: {  	[smem:$0x3FC5] =	sst s2  }
0x8f: {  	_ = 	snop  }
0x90: {  	s2 =	sld [smem:$0x3FD0];
	(tm) =	ssettm $0x1  }
0x91: {  	s18 =	sld [smem:$0x3FFB];
	_ =	sdelay $0x3  }
0x92: {  	_ =	strace s18  }
0x93: {  	s3 =	sld [smem:$0x3FFC];
	_ =	sdelay $0x3  }
0x94: {  	_ =	strace s3  }
0x95: {  	s3 =	sld [smem:$0x3FFD];
	_ =	sdelay $0x3  }
0x96: {  	_ =	strace s3  }
0x97: {  	_ =	strace $0x8FFFFFFF  }
0x98: {  	s19 =	sld [smem:$0x3FDB];
	_ =	sdelay $0x1  }
0x99: {  	s4 =	simm.s32 $_scs_section_size  }
0x9a: {  	s5 =	simm.s32 $_size__tile_overlayer_lowered;
	s6 =	simm.s32 $_tile_overlayer_lowered  }
0x9b: {  	s22 =	simm.s32 $0x1BFF;
	s21 =	sshll.u32 s6, $0x1;
	s3 =	sadd.s32 s4, s19  }
0x9c: {  	s7 =	simm.s32 $0x0;
	s20 =	sshll.u32 s5, $0x1;
	s5 =	sadd.s32 s21, s3  }
0x9d: {  	[timem:s7], [sflag:s22] =	dma.local [hbm:s5], s20  }
0x9e: {  	_ =	swait.ge [sflag:s22], s20  }
0x9f: {  	s4 =	ssub.s32 $0x0, s20;
	[sflag:s22] =	ssyncset.done $0x0  }
0xa0: {  	[sflag:s22] =	ssyncadd.s32 s4;
	_ =	sdelay $0x1  }
0xa1: {  	s23 =	simm.s32 $0x1B8B  }
0xa2: {  	_ =	swait.ge [sflag:s23], $0x1  }
0xa3: {  	[sflag:s23] =	ssyncset.done $0x0  }
0xa4: {  	s25 =	simm.s32 $0x1B8E;
	s24 =	sld [smem:$0x3FFE];
	[sflag:s23] =	ssyncadd.s32 $0xFFFFFFFF  }
0xa5: {  	s26 =	simm.s32 $execute0_lowered;
	[smem:$0x3FD2] =	sst s25  }
0xa6: {  	s5 =	sshll.u32 s26, $0x1;
	_ =	strace $0x80000046;
	[dreg:$0x1] =	wrdreg $0xFFFFFFFF  }
0xa7: {  	s28 =	simm.s32 $_size_execute0_lowered;
	s3 =	sadd.s32 s3, s5;
	[dreg:$0x0] =	wrdreg $0x0  }
0xa8: {  	s5 =	sshll.u32 s28, $0x1;
	[dreg:$0x2] =	wrdreg s3  }
0xa9: {  	[dreg:$0x3] =	wrdreg s5  }
0xaa: {  	[dreg:$0x4] =	wrdreg $0xC0  }
0xab: {  	_ =	task [dreg:s7], $0x5FFFF  }
0xac: {  	[dreg:$0x1] =	wrdreg $0xFFFFFFFF  }
0xad: {  	[dreg:$0x0] =	wrdreg $0x60  }
0xae: {  	[dreg:$0x2] =	wrdreg s2  }
0xaf: {  	[dreg:$0x3] =	wrdreg s24  }
0xb0: {  	[dreg:$0x4] =	wrdreg $0x9  }
0xb1: {  	_ =	task.clear_ibuf [dreg:s7], $0x5FFFF;
	_ =	strace $0x90000046  }
0xb2: {  	s29 =	simm.s32 $0x9;
	_ =	strace $0x80000048  }
0xb3: {  	_ =	swait.ge [sflag:s29], $0x1  }
0xb4: {  	[sflag:s29] =	ssyncadd.s32 $0xFFFFFFFF  }
0xb5: {  	_ =	strace $0x90000048  }
0xb6: {  	_ =	sfence  }
0xb7: {  	s30 =	sld [smem:$0x0];
	_ =	sdelay $0x2  }
0xb8: {  	s31 =	sshll.u32 s1, $0xD;
	s1 =	sshrl.u32 s1, $0x2  }
0xb9: {  	s3 =	sand.u32 $0x4000, s31;
	s1 =	sadd.s32 s1, s30  }
0xba: {  	s0 =	sor.u32 s3, s0;
	s1 =	sshll.u32 s1, $0x11  }
0xbb: {  	s0 =	sor.u32 s1, s0  }
0xbc: {  	s0 =	sadd.s32 $0x8F2B, s0  }
0xbd: {  	[sflag:s0] =	ssyncadd.remote.s32 $0x1  }
0xbe: {  	_ =	sfence.sel $0xFFFF  }
0xbf: {  	[dreg:$0x0] =	wrdreg $0xFFFFFFFF;
	(pc) =	sbr.abs _section_cstart, $3  }
0xc0: {  	[dreg:$0x1] =	wrdreg $0xFFFFFFFF  }
0xc1: {  	_ =	task.clear_ibuf [dreg:s7], $0x2FFFF;
	_ =	strace $0x9FFFFFFF  }
0xc2: {  	(tm) =	ssettm $0x7FFFFFFF  }
0xc3: {  	_ =	shalt  }
tec
execute0_lowered:
.L_overlay_start_1:
0x0: {  	(tag) =	ssettag $0x1  }
0x1: {  	s2 =	rddreg [dreg:$0x0]  }
0x2: {  	s0 =	rddreg [dreg:$0x1]  }
0x3: {  	s1 =	srdreg.scid;
	s4 =	stileid.u32;
	s3 =	simm.s32 $0x0  }
0x4: {  	s14 =	simm.s32 $0x5;
	s15 =	simm.s32 $0xC8;
	s18 =	simm.s32 $0x100  }
0x5: {  	s19 =	simm.s32 $0x300;
	s20 =	simm.s32 $0x6800;
	s21 =	simm.s32 $0x1  }
0x6: {  	s22 =	simm.s32 $0xCC00;
	s23 =	simm.s32 $0x2;
	s24 =	simm.s32 $0x13000  }
0x7: {  	s1 =	sand.u32 $0x1, s1;
	s4 =	sshll.u32 s4, $0x1;
	[smem:$0x7FF] =	sst s3  }
0x8: {  	s6 =	sadd.s32 $0xC00, s0;
	s5 =	sor.u32 s1, s4;
	_ =	strace $0x80000047  }
0x9: {  	s4 =	sadd.s32 $0xF43000, s0;
	s1 =	ssub.s32 $0x2, s1;
	s7 =	smul.u32 $0xC80, s5  }
.Ltmp0:
0xa: {  	[dreg:$0x3] =	wrdreg s6;
	s30 =	sshrl.u32 s1, $0x1;
	(pc) =	sbr.rel .LBB2_1-.Ltmp0, $4  }
0xb: {  	s6 =	sadd.s32 $0x14600, s0;
	s0 =	ssub.s32 s1, s30;
	s7 =	sadd.s32 s2, s7  }
0xc: {  	s8 =	sshll.u32 s5, $0x7;
	s0 =	smax.u32 s0, $0x1;
	[dreg:$0x4] =	wrdreg s7  }
0xd: {  	s5 =	simm.s32 $0x0;
	s31 =	sadd.s32 $0x19, s7;
	[dreg:$0x6] =	wrdreg s0  }
0xe: {  	s10 =	sor.u32 $0x2, s8;
	s11 =	sor.u32 $0x3, s8;
	[dreg:$0x5] =	wrdreg s31  }
.LBB2_18:
0xf: {  	s0 =	simm.s32 $0x3  }
0x10: {  	_ =	swait.ge [sflag:s0], $0x6400  }
0x11: {  	[sflag:s0] =	ssyncset.done $0x0  }
0x12: {  	s1 =	simm.s32 $0x4;
	[sflag:s0] =	ssyncadd.s32 $0xFFFF9C00  }
0x13: {  	_ =	swait.ge [sflag:s1], $0x6400  }
0x14: {  	s5 =	rddreg [dreg:$0x7]  }
0x15: {  	s31 =	rddreg [dreg:$0x6];
	s5 =	sadd.s32 $0x1, s5  }
0x16: {  	p0 =	sne.s32 s5, s31  }
.Ltmp1:
0x17: {  	_ = 	snop;
	(pc) =	sbr.rel @!p0 .LBB2_19-.Ltmp1, $3  }
0x18: {  	_ =	sdelay $0x1  }
0x19: {  	[sflag:s1] =	ssyncset.done $0x0  }
0x1a: {  	[sflag:s1] =	ssyncadd.s32 $0xFFFF9C00  }
.LBB2_1:
0x1b: {  	[dreg:$0x7] =	wrdreg s5  }
0x1c: {  	s0 =	rddreg [dreg:$0x3];
	s1 =	simm.s32 $0x19400  }
0x1d: {  	[tilespmem:s1], [sflag:$0x5] =	stream.linear.gather [hbm4b:s0+s3], $0x6400, $0x38;
	[tilespmem:$0x1F800] =	vst v63  }
0x1e: {  	_ =	swait.ge [sflag:s14], $0x6400  }
0x1f: {  	[sflag:s14] =	ssyncset.done $0x0  }
0x20: {  	s31 =	rddreg [dreg:$0x4];
	[sflag:s14] =	ssyncadd.s32 $0xFFFF9C00  }
0x21: {  	[tilespmem:s3], [sflag:$0x5] =	stream.linear.gather [hbm4b:s31+s3], $0xC8, $0x38;
	[tilespmem:$0x1F800] =	vst v63  }
0x22: {  	_ =	swait.ge [sflag:s14], $0xC8  }
0x23: {  	[sflag:s14] =	ssyncset.done $0x0  }
0x24: {  	s0 =	simm.s32 $0x0;
	[sflag:s14] =	ssyncadd.s32 $0xFFFFFF38  }
0x25: {  	s1 =	simm.s32 $0x40;
	v0 =	vld [tilespmem:s0+$0x0]  }
.LBB2_2:
0x26: {  	p0 =	sne.s32 s1, $0x300  }
.Ltmp2:
0x27: {  	_ = 	snop;
	(pc) =	sbr.rel @p0 .LBB2_2-.Ltmp2, $3  }
0x28: {  	_ =	sdelay $0x1  }
0x29: {  	s5 =	sshra.s32 s1, $0x2;
	s1 =	sadd.s32 $0x40, s1;
	v1 =	vshrl.u32 v0, $0x1  }
0x2a: {  	v0 =	vld [tilespmem:s5+$0x0];
	[tilespmem:s0+$0x200] =	vst v1;
	s0 =	smov.u32 s5  }
0x2b: {  	_ =	sdelay $0x3  }
0x2c: {  	v0 =	vshrl.u32 v0, $0x1  }
0x2d: {  	s29 =	simm.s32 $0x200;
	s1 =	simm.s32 $0x400;
	[tilespmem:s0+$0x200] =	vst v0  }
0x2e: {  	[tilespmem:s1], [sflag:$0x1] =	stream.indirect.gather [hbm4b:s4+s15], $0x80, s29, s15, $0xb8;
	[tilespmem:$0x1F800] =	vst v63  }
0x2f: {  	s30 =	simm.s32 $0x0;
	s31 =	rddreg [dreg:$0x5]  }
0x30: {  	[tilespmem:s18], [sflag:$0x5] =	stream.linear.gather [hbm4b:s31+s30], $0xC8, $0x38;
	[tilespmem:$0x1F800] =	vst v63  }
0x31: {  	_ =	swait.ge [sflag:s14], $0xC8  }
0x32: {  	[sflag:s14] =	ssyncset.done $0x0  }
0x33: {  	s0 =	simm.s32 $0x0;
	[sflag:s14] =	ssyncadd.s32 $0xFFFFFF38  }
0x34: {  	s1 =	simm.s32 $0x40;
	v0 =	vld [tilespmem:s0+$0x100]  }
.LBB2_4:
0x35: {  	p0 =	sne.s32 s1, $0x300  }
.Ltmp3:
0x36: {  	_ = 	snop;
	(pc) =	sbr.rel @p0 .LBB2_4-.Ltmp3, $3  }
0x37: {  	_ =	sdelay $0x1  }
0x38: {  	s5 =	sshra.s32 s1, $0x2;
	s1 =	sadd.s32 $0x40, s1;
	v1 =	vshrl.u32 v0, $0x1  }
0x39: {  	v0 =	vld [tilespmem:s5+$0x100];
	[tilespmem:s0+$0x300] =	vst v1;
	s0 =	smov.u32 s5  }
0x3a: {  	_ =	sdelay $0x3  }
0x3b: {  	v0 =	vshrl.u32 v0, $0x1  }
0x3c: {  	s29 =	simm.s32 $0x0;
	[tilespmem:s0+$0x300] =	vst v0  }
0x3d: {  	[tilespmem:s20], [sflag:$0x2] =	stream.indirect.gather [hbm4b:s4+s15], $0x80, s19, s15, $0xb8;
	[tilespmem:$0x1F800] =	vst v63  }
.LBB2_6:
0x3e: {  	_ =	swait.ge [sflag:s21], $0x6400  }
0x3f: {  	p0 =	seq.s32 s29, $0x0;
	[sflag:s21] =	ssyncset.done $0x0  }
0x40: {  	s0 =	simm.s32 @!p0 $0x3;
	[sflag:s21] =	ssyncadd.s32 $0xFFFF9C00  }
0x41: {  	_ =	swait.ge @!p0 [sflag:s0], $0x6400  }
0x42: {  	[sflag:s0] =	ssyncset.done @!p0 $0x0  }
0x43: {  	s7 =	simm.s32 $0x1;
	[sflag:s0] =	ssyncadd.s32 @!p0 $0xFFFF9C00  }
0x44: {  	v0 =	vld [tilespmem:s7+$0x0];
	_ =	sdelay $0x4  }
0x45: {  	(v2sf) =	vpush v0, $0x0;
	v0 =	vld [tilespmem:s7+$0xFFFFFFFF];
	_ =	sdelay $0x4  }
0x46: {  	(v2sf) =	vpush v0, $0x0;
	_ =	sdelay $0x5  }
0x47: {  	s9 =	simm.s32 $0x3  }
0x48: {  	v0 =	vld [tilespmem:s9+$0x0];
	_ =	sdelay $0x2  }
0x49: {  	s1 =	spop (v2sf)  }
0x4a: {  	s1 =	sand.u32 $0x1, s1  }
0x4b: {  	v1 =	vld [tilespmem:s9+$0xFFFFFFFF];
	(v2sf) =	vpush v0, $0x0;
	s1 =	sshll.u32 s1, $0x6  }
0x4c: {  	s9 =	sadd.s32 $0x0, s1  }
0x4d: {  	v0 =	vld [tilespmem:s9+$0x480]  }
0x4e: {  	s31 =	simm.s32 $0x0;
	s12 =	spop (v2sf)  }
0x4f: {  	v2 =	vld [tilespmem:s31+$0x19480];
	s0 =	sand.u32 $0x1, s12  }
0x50: {  	(v2sf) =	vpush v1, $0x0;
	s0 =	sshll.u32 s0, $0x6  }
0x51: {  	s7 =	sadd.s32 $0x0, s0  }
0x52: {  	v0 =	vmul.f32 $8.000000000e+00, v0;
	v1 =	vld [tilespmem:s7+$0x400];
	_ =	sdelay $0x1  }
0x53: {  	v0 =	vadd.f32 v2, v0;
	v2 =	vld [tilespmem:s31+$0x19400]  }
0x54: {  	s13 =	simm.s32 $0x5  }
0x55: {  	v3 =	vld [tilespmem:s13+$0x0];
	[tilespmem:s31+$0xCC80] =	vst v0  }
0x56: {  	v0 =	vld [tilespmem:s9+$0x490];
	v1 =	vmul.f32 $8.000000000e+00, v1  }
0x57: {  	v4 =	vld [tilespmem:s31+$0x19490]  }
0x58: {  	v5 =	vld [tilespmem:s31+$0x19410];
	v1 =	vadd.f32 v2, v1  }
0x59: {  	v6 =	vld [tilespmem:s31+$0x19420];
	s16 =	spop (v2sf)  }
0x5a: {  	s12 =	simm.s32 $0x7;
	s17 =	sand.u32 $0x1, s16;
	[tilespmem:s31+$0xCC00] =	vst v1;
	v1 =	vld [tilespmem:s13+$0xFFFFFFFF]  }
0x5b: {  	v11 =	vld [tilespmem:s12+$0x0];
	s0 =	sshll.u32 s17, $0x6;
	v2 =	vmul.f32 $8.000000000e+00, v0  }
0x5c: {  	(v2sf) =	vpush v3, $0x0;
	s1 =	sadd.s32 $0x100, s0;
	v7 =	vld [tilespmem:s7+$0x410]  }
0x5d: {  	v3 =	vld [tilespmem:s1+$0x480];
	v2 =	vadd.f32 v4, v2  }
0x5e: {  	s0 =	simm.s32 $0x100;
	v0 =	vld [tilespmem:s31+$0x19430];
	s5 =	spop (v2sf)  }
0x5f: {  	v4 =	vld [tilespmem:s0+$0x19480];
	s5 =	sand.u32 $0x1, s5;
	[tilespmem:s31+$0xCC90] =	vst v2;
	(v2sf) =	vpush v1, $0x0  }
0x60: {  	s5 =	sshll.u32 s5, $0x6;
	v1 =	vld [tilespmem:s9+$0x4A0]  }
0x61: {  	s5 =	sadd.s32 $0x100, s5;
	v2 =	vmul.f32 $8.000000000e+00, v7;
	v7 =	vld [tilespmem:s31+$0x194A0]  }
0x62: {  	v9 =	vld [tilespmem:s5+$0x400];
	v3 =	vmul.f32 $8.000000000e+00, v3  }
0x63: {  	v8 =	vld [tilespmem:s0+$0x19400]  }
0x64: {  	s13 =	simm.s32 $0x200;
	v10 =	vld [tilespmem:s0+$0x19410];
	v3 =	vadd.f32 v4, v3  }
0x65: {  	v14 =	vld [tilespmem:s13+$0x19480];
	v5 =	vadd.f32 v5, v2;
	v1 =	vmul.f32 $8.000000000e+00, v1  }
0x66: {  	v2 =	vld [tilespmem:s0+$0x19420];
	[tilespmem:s0+$0xCC80] =	vst v3  }
0x67: {  	[tilespmem:s31+$0xCC10] =	vst v5;
	v3 =	vmul.f32 $8.000000000e+00, v9;
	v5 =	vld [tilespmem:s1+$0x490];
	v1 =	vadd.f32 v7, v1  }
0x68: {  	v4 =	vld [tilespmem:s7+$0x420]  }
0x69: {  	v7 =	vld [tilespmem:s0+$0x19490];
	[tilespmem:s31+$0xCCA0] =	vst v1;
	v1 =	vadd.f32 v8, v3  }
0x6a: {  	v8 =	vld [tilespmem:s12+$0xFFFFFFFF]  }
0x6b: {  	s25 =	spop (v2sf);
	v3 =	vld [tilespmem:s9+$0x4B0];
	[tilespmem:s0+$0xCC00] =	vst v1  }
0x6c: {  	s9 =	sand.u32 $0x1, s25;
	v13 =	vmul.f32 $8.000000000e+00, v5;
	v12 =	vld [tilespmem:s5+$0x410]  }
0x6d: {  	v9 =	vld [tilespmem:s31+$0x194B0];
	s9 =	sshll.u32 s9, $0x6  }
0x6e: {  	(v2sf) =	vpush v11, $0x0;
	v5 =	vld [tilespmem:s13+$0x19400];
	s12 =	sadd.s32 $0x200, s9;
	v7 =	vadd.f32 v7, v13;
	s16 =	spop (v2sf)  }
0x6f: {  	v62 =	vld [tilespmem:s12+$0x480];
	(v2sf) =	vpush v8, $0x0;
	s26 =	sand.u32 $0x1, s16  }
0x70: {  	v4 =	vmul.f32 $8.000000000e+00, v4;
	v1 =	vld [tilespmem:s0+$0x19430];
	[tilespmem:s0+$0xCC90] =	vst v7;
	s9 =	sshll.u32 s26, $0x6  }
0x71: {  	v63 =	vld [tilespmem:s1+$0x4A0];
	s9 =	sadd.s32 $0x200, s9;
	v7 =	vmul.f32 $8.000000000e+00, v12  }
0x72: {  	v6 =	vadd.f32 v6, v4;
	v16 =	vmul.f32 $8.000000000e+00, v3;
	v15 =	vld [tilespmem:s9+$0x400]  }
0x73: {  	v10 =	vadd.f32 v10, v7;
	v7 =	vld [tilespmem:s0+$0x194A0]  }
0x74: {  	v4 =	vld [tilespmem:s13+$0x19420];
	[tilespmem:s31+$0xCC20] =	vst v6;
	v9 =	vadd.f32 v9, v16;
	v11 =	vmul.f32 $8.000000000e+00, v62  }
0x75: {  	v3 =	vld [tilespmem:s13+$0x19410];
	[tilespmem:s0+$0xCC10] =	vst v10  }
0x76: {  	s30 =	sshll.u32 s29, $0x1;
	[tilespmem:s31+$0xCCB0] =	vst v9;
	v9 =	vmul.f32 $8.000000000e+00, v63;
	v10 =	vadd.f32 v14, v11;
	v8 =	vld [tilespmem:s5+$0x420]  }
0x77: {  	s28 =	simm.s32 $0x9;
	s25 =	simm.s32 $0x800;
	v6 =	vld [tilespmem:s7+$0x430];
	s26 =	simm.s32 $0x6;
	v11 =	vmul.f32 $8.000000000e+00, v15  }
.LBB2_7:
0x78: {  	v12 =	vld [tilespmem:s28+$0x0];
	[tilespmem:s13+$0xCC80] =	vst v10;
	v7 =	vadd.f32 v7, v9  }
0x79: {  	v5 =	vadd.f32 v5, v11;
	v9 =	vld [tilespmem:s12+$0x490]  }
0x7a: {  	v10 =	vld [tilespmem:s13+$0x19490];
	[tilespmem:s0+$0xCCA0] =	vst v7  }
0x7b: {  	s26 =	sadd.s32 $0x2, s26;
	[tilespmem:s13+$0xCC00] =	vst v5;
	v5 =	vmul.f32 $8.000000000e+00, v8;
	v7 =	vld [tilespmem:s1+$0x4B0];
	s1 =	smov.u32 s12  }
0x7c: {  	p1 =	slt.u32 s26, $0xC6;
	v8 =	vld [tilespmem:s28+$0xFFFFFFFF];
	v6 =	vmul.f32 $8.000000000e+00, v6  }
0x7d: {  	s7 =	spop (v2sf);
	v5 =	vadd.f32 v2, v5;
	v11 =	vld [tilespmem:s0+$0x194B0];
	v2 =	vmov v4  }
0x7e: {  	s25 =	sadd.s32 $0x400, s25;
	s7 =	sand.u32 $0x1, s7;
	s12 =	spop (v2sf);
	v4 =	vld [tilespmem:s9+$0x410];
	v9 =	vmul.f32 $8.000000000e+00, v9;
	v6 =	vadd.f32 v0, v6;
	v0 =	vmov v1  }
0x7f: {  	s16 =	sshra.s32 s25, $0x2;
	s12 =	sand.u32 $0x1, s12;
	s7 =	sshll.u32 s7, $0x6;
	v1 =	vld [tilespmem:s13+$0x19430];
	[tilespmem:s0+$0xCC20] =	vst v5  }
0x80: {  	(v2sf) =	vpush v12, $0x0;
	s17 =	sshll.u32 s12, $0x6;
	v5 =	vld [tilespmem:s16+$0x19400];
	s12 =	sadd.s32 s16, s7;
	v9 =	vadd.f32 v10, v9;
	v7 =	vmul.f32 $8.000000000e+00, v7;
	[tilespmem:s31+$0xCC30] =	vst v6;
	s31 =	smov.u32 s0  }
0x81: {  	s0 =	smov.u32 s13;
	s13 =	smov.u32 s16;
	(v2sf) =	vpush v8, $0x0;
	s7 =	sadd.s32 s16, s17;
	v6 =	vld [tilespmem:s12+$0x480]  }
0x82: {  	v8 =	vld [tilespmem:s13+$0x19480];
	[tilespmem:s0+$0xCC90] =	vst v9;
	v7 =	vadd.f32 v11, v7  }
0x83: {  	v4 =	vmul.f32 $8.000000000e+00, v4;
	v9 =	vld [tilespmem:s1+$0x4A0]  }
0x84: {  	v11 =	vld [tilespmem:s7+$0x400];
	[tilespmem:s31+$0xCCB0] =	vst v7  }
.Ltmp4:
0x85: {  	v10 =	vadd.f32 v3, v4;
	v7 =	vld [tilespmem:s0+$0x194A0];
	(pc) =	sbr.rel @p1 .LBB2_7-.Ltmp4, $4  }
0x86: {  	v3 =	vld [tilespmem:s13+$0x19410];
	v6 =	vmul.f32 $8.000000000e+00, v6  }
0x87: {  	v4 =	vld [tilespmem:s13+$0x19420];
	[tilespmem:s0+$0xCC10] =	vst v10  }
0x88: {  	v10 =	vadd.f32 v8, v6;
	v8 =	vld [tilespmem:s9+$0x420];
	v9 =	vmul.f32 $8.000000000e+00, v9  }
0x89: {  	s28 =	sadd.s32 $0x2, s28;
	v11 =	vmul.f32 $8.000000000e+00, v11;
	v6 =	vld [tilespmem:s5+$0x430];
	s5 =	smov.u32 s9;
	s9 =	smov.u32 s7  }
0x8a: {  	_ =	sdelay $0x4  }
0x8b: {  	s7 =	spop (v2sf)  }
0x8c: {  	s17 =	sadd.s32 $0x400, s25;
	s16 =	sand.u32 $0x1, s7;
	s26 =	spop (v2sf)  }
0x8d: {  	s7 =	sshra.s32 s17, $0x2;
	s28 =	sand.u32 $0x1, s26;
	s16 =	sshll.u32 s16, $0x6  }
0x8e: {  	s25 =	sshll.u32 s28, $0x6;
	s26 =	sadd.s32 s7, s16  }
0x8f: {  	s28 =	sadd.s32 s7, s25;
	v12 =	vld [tilespmem:s26+$0x480]  }
0x90: {  	v13 =	vld [tilespmem:s28+$0x400]  }
0x91: {  	v14 =	vld [tilespmem:s7+$0x19480]  }
0x92: {  	v15 =	vld [tilespmem:s7+$0x19400];
	_ =	sdelay $0x1  }
0x93: {  	v5 =	vadd.f32 v5, v11;
	v12 =	vmul.f32 $8.000000000e+00, v12  }
0x94: {  	v25 =	vmul.f32 $8.000000000e+00, v13  }
0x95: {  	v27 =	vld [tilespmem:s13+$0x19490];
	[tilespmem:s13+$0xCC00] =	vst v5;
	v12 =	vadd.f32 v14, v12  }
0x96: {  	[tilespmem:s13+$0xCC80] =	vst v10;
	v29 =	vld [tilespmem:s9+$0x410];
	v28 =	vadd.f32 v15, v25  }
0x97: {  	v26 =	vld [tilespmem:s12+$0x490];
	[tilespmem:s7+$0xCC80] =	vst v12  }
0x98: {  	v12 =	vld [tilespmem:s26+$0x490];
	[tilespmem:s7+$0xCC00] =	vst v28  }
0x99: {  	v5 =	vld [tilespmem:s28+$0x410]  }
0x9a: {  	v30 =	vld [tilespmem:s7+$0x19490]  }
0x9b: {  	v31 =	vld [tilespmem:s7+$0x19410];
	v10 =	vmul.f32 $8.000000000e+00, v29  }
0x9c: {  	v11 =	vmul.f32 $8.000000000e+00, v26  }
0x9d: {  	v3 =	vadd.f32 v3, v10;
	v12 =	vmul.f32 $8.000000000e+00, v12  }
0x9e: {  	v32 =	vld [tilespmem:s13+$0x19430];
	v11 =	vadd.f32 v27, v11;
	v5 =	vmul.f32 $8.000000000e+00, v5  }
0x9f: {  	v35 =	vld [tilespmem:s13+$0x194A0];
	[tilespmem:s13+$0xCC10] =	vst v3;
	v33 =	vadd.f32 v30, v12  }
0xa0: {  	[tilespmem:s13+$0xCC90] =	vst v11;
	v36 =	vld [tilespmem:s9+$0x420];
	v5 =	vadd.f32 v31, v5  }
0xa1: {  	v34 =	vld [tilespmem:s12+$0x4A0];
	[tilespmem:s7+$0xCC90] =	vst v33  }
0xa2: {  	v11 =	vld [tilespmem:s26+$0x4A0];
	[tilespmem:s7+$0xCC10] =	vst v5  }
0xa3: {  	v39 =	vld [tilespmem:s28+$0x420]  }
0xa4: {  	v38 =	vmul.f32 $8.000000000e+00, v8;
	v41 =	vld [tilespmem:s7+$0x194A0]  }
0xa5: {  	v37 =	vadd.f32 v7, v9;
	v42 =	vld [tilespmem:s7+$0x19420];
	v44 =	vmul.f32 $8.000000000e+00, v36  }
0xa6: {  	v45 =	vld [tilespmem:s0+$0x194B0];
	v2 =	vadd.f32 v2, v38;
	v40 =	vmul.f32 $8.000000000e+00, v34  }
0xa7: {  	v50 =	vld [tilespmem:s13+$0x194B0];
	[tilespmem:s0+$0xCCA0] =	vst v37;
	v46 =	vadd.f32 v4, v44;
	v11 =	vmul.f32 $8.000000000e+00, v11  }
0xa8: {  	v43 =	vld [tilespmem:s1+$0x4B0];
	[tilespmem:s0+$0xCC20] =	vst v2;
	v3 =	vadd.f32 v35, v40;
	v8 =	vmul.f32 $8.000000000e+00, v39  }
0xa9: {  	v47 =	vld [tilespmem:s5+$0x430];
	[tilespmem:s13+$0xCC20] =	vst v46;
	v48 =	vadd.f32 v41, v11  }
0xaa: {  	[tilespmem:s13+$0xCCA0] =	vst v3;
	v51 =	vld [tilespmem:s9+$0x430];
	v5 =	vadd.f32 v42, v8  }
0xab: {  	v49 =	vld [tilespmem:s12+$0x4B0];
	[tilespmem:s7+$0xCCA0] =	vst v48  }
0xac: {  	v6 =	vmul.f32 $8.000000000e+00, v6;
	v9 =	vld [tilespmem:s26+$0x4B0];
	[tilespmem:s7+$0xCC20] =	vst v5  }
0xad: {  	v52 =	vmul.f32 $8.000000000e+00, v43;
	v53 =	vld [tilespmem:s28+$0x430]  }
0xae: {  	v0 =	vadd.f32 v0, v6;
	v54 =	vld [tilespmem:s7+$0x194B0];
	v4 =	vmul.f32 $8.000000000e+00, v47  }
0xaf: {  	v55 =	vld [tilespmem:s7+$0x19430];
	v2 =	vadd.f32 v45, v52;
	v57 =	vmul.f32 $8.000000000e+00, v51  }
0xb0: {  	[tilespmem:s31+$0xCC30] =	vst v0;
	v56 =	vadd.f32 v1, v4;
	v11 =	vmul.f32 $8.000000000e+00, v49  }
0xb1: {  	[tilespmem:s0+$0xCCB0] =	vst v2;
	v60 =	vadd.f32 v32, v57;
	v59 =	vmul.f32 $8.000000000e+00, v9  }
0xb2: {  	p1 =	seq.s32 s29, $0x3F;
	[tilespmem:s0+$0xCC30] =	vst v56;
	v58 =	vadd.f32 v50, v11;
	v61 =	vmul.f32 $8.000000000e+00, v53  }
.Ltmp5:
0xb3: {  	s31 =	sadd.s32 s8, s30;
	[tilespmem:s13+$0xCC30] =	vst v60;
	v62 =	vadd.f32 v54, v59;
	(pc) =	sbr.rel @p1 .LBB2_12-.Ltmp5, $4  }
0xb4: {  	s0 =	smul.u32 $0xC80, s31;
	[tilespmem:s13+$0xCCB0] =	vst v58;
	v63 =	vadd.f32 v55, v61  }
0xb5: {  	[tilespmem:s7+$0xCCB0] =	vst v62  }
0xb6: {  	s0 =	sadd.s32 s6, s0;
	[tilespmem:s7+$0xCC30] =	vst v63  }
0xb7: {  	[hbm4b:s0+s3] =	stream.linear.scatter [tilespmem:s22], [sflag:$0x3], $0x6400, $0x38;
	[tilespmem:$0x1F800] =	vst v63  }
0xb8: {  	s0 =	sadd.s32 s30, s10  }
0xb9: {  	s0 =	smul.u32 $0x19, s0;
	_ =	sdelay $0x1  }
0xba: {  	s1 =	simm.s32 $0x0;
	s0 =	sadd.s32 s2, s0  }
0xbb: {  	[tilespmem:s1], [sflag:$0x5] =	stream.linear.gather [hbm4b:s0+s1], $0xC8, $0x38;
	[tilespmem:$0x1F800] =	vst v63  }
0xbc: {  	_ =	swait.ge [sflag:s14], $0xC8  }
0xbd: {  	[sflag:s14] =	ssyncset.done $0x0  }
0xbe: {  	s0 =	simm.s32 $0x0;
	[sflag:s14] =	ssyncadd.s32 $0xFFFFFF38  }
0xbf: {  	s1 =	simm.s32 $0x40;
	v0 =	vld [tilespmem:s0+$0x0]  }
.LBB2_10:
0xc0: {  	p2 =	sne.s32 s1, $0x300  }
.Ltmp6:
0xc1: {  	_ = 	snop;
	(pc) =	sbr.rel @p2 .LBB2_10-.Ltmp6, $3  }
0xc2: {  	_ =	sdelay $0x1  }
0xc3: {  	s5 =	sshra.s32 s1, $0x2;
	s1 =	sadd.s32 $0x40, s1;
	v1 =	vshrl.u32 v0, $0x1  }
0xc4: {  	v0 =	vld [tilespmem:s5+$0x0];
	[tilespmem:s0+$0x200] =	vst v1;
	s0 =	smov.u32 s5  }
0xc5: {  	_ =	sdelay $0x3  }
0xc6: {  	v0 =	vshrl.u32 v0, $0x1  }
0xc7: {  	s31 =	simm.s32 $0x200;
	s1 =	simm.s32 $0x400;
	[tilespmem:s0+$0x200] =	vst v0  }
0xc8: {  	[tilespmem:s1], [sflag:$0x1] =	stream.indirect.gather [hbm4b:s4+s15], $0x80, s31, s15, $0xb8;
	[tilespmem:$0x1F800] =	vst v63  }
.LBB2_12:
0xc9: {  	_ =	swait.ge [sflag:s23], $0x6400  }
0xca: {  	[sflag:s23] =	ssyncset.done $0x0  }
0xcb: {  	s0 =	simm.s32 @!p0 $0x4;
	[sflag:s23] =	ssyncadd.s32 $0xFFFF9C00  }
0xcc: {  	_ =	swait.ge @!p0 [sflag:s0], $0x6400  }
0xcd: {  	[sflag:s0] =	ssyncset.done @!p0 $0x0  }
0xce: {  	s5 =	simm.s32 $0x101;
	[sflag:s0] =	ssyncadd.s32 @!p0 $0xFFFF9C00  }
0xcf: {  	v0 =	vld [tilespmem:s5+$0x0];
	_ =	sdelay $0x4  }
0xd0: {  	(v2sf) =	vpush v0, $0x0;
	v0 =	vld [tilespmem:s5+$0xFFFFFFFF];
	_ =	sdelay $0x4  }
0xd1: {  	(v2sf) =	vpush v0, $0x0;
	_ =	sdelay $0x5  }
0xd2: {  	s7 =	simm.s32 $0x103  }
0xd3: {  	v0 =	vld [tilespmem:s7+$0x0];
	_ =	sdelay $0x2  }
0xd4: {  	s1 =	spop (v2sf)  }
0xd5: {  	s1 =	sand.u32 $0x1, s1  }
0xd6: {  	v1 =	vld [tilespmem:s7+$0xFFFFFFFF];
	(v2sf) =	vpush v0, $0x0;
	s1 =	sshll.u32 s1, $0x6  }
0xd7: {  	s7 =	sadd.s32 $0x0, s1  }
0xd8: {  	v0 =	vld [tilespmem:s7+$0x6880]  }
0xd9: {  	s31 =	simm.s32 $0x0;
	s9 =	spop (v2sf)  }
0xda: {  	v2 =	vld [tilespmem:s31+$0x19480];
	s0 =	sand.u32 $0x1, s9  }
0xdb: {  	(v2sf) =	vpush v1, $0x0;
	s0 =	sshll.u32 s0, $0x6  }
0xdc: {  	s25 =	sadd.s32 $0x0, s0  }
0xdd: {  	v0 =	vmul.f32 $8.000000000e+00, v0;
	v1 =	vld [tilespmem:s25+$0x6800];
	_ =	sdelay $0x1  }
0xde: {  	v0 =	vadd.f32 v2, v0;
	v2 =	vld [tilespmem:s31+$0x19400]  }
0xdf: {  	s12 =	simm.s32 $0x105  }
0xe0: {  	v3 =	vld [tilespmem:s12+$0x0];
	[tilespmem:s31+$0x13080] =	vst v0  }
0xe1: {  	v0 =	vld [tilespmem:s7+$0x6890];
	v1 =	vmul.f32 $8.000000000e+00, v1  }
0xe2: {  	v4 =	vld [tilespmem:s31+$0x19490]  }
0xe3: {  	v5 =	vld [tilespmem:s31+$0x19410];
	v1 =	vadd.f32 v2, v1  }
0xe4: {  	v6 =	vld [tilespmem:s31+$0x19420];
	s13 =	spop (v2sf)  }
0xe5: {  	s9 =	simm.s32 $0x107;
	s16 =	sand.u32 $0x1, s13;
	[tilespmem:s31+$0x13000] =	vst v1;
	v1 =	vld [tilespmem:s12+$0xFFFFFFFF]  }
0xe6: {  	v11 =	vld [tilespmem:s9+$0x0];
	s0 =	sshll.u32 s16, $0x6;
	v2 =	vmul.f32 $8.000000000e+00, v0  }
0xe7: {  	(v2sf) =	vpush v3, $0x0;
	s1 =	sadd.s32 $0x100, s0;
	v7 =	vld [tilespmem:s25+$0x6810]  }
0xe8: {  	s13 =	simm.s32 $0x200;
	v3 =	vld [tilespmem:s1+$0x6880];
	v2 =	vadd.f32 v4, v2  }
0xe9: {  	v14 =	vld [tilespmem:s13+$0x19480];
	s0 =	simm.s32 $0x100;
	s5 =	spop (v2sf)  }
0xea: {  	v4 =	vld [tilespmem:s0+$0x19480];
	s5 =	sand.u32 $0x1, s5;
	[tilespmem:s31+$0x13090] =	vst v2;
	(v2sf) =	vpush v1, $0x0  }
0xeb: {  	s5 =	sshll.u32 s5, $0x6;
	v1 =	vld [tilespmem:s7+$0x68A0]  }
0xec: {  	s5 =	sadd.s32 $0x100, s5;
	v2 =	vmul.f32 $8.000000000e+00, v7;
	v7 =	vld [tilespmem:s31+$0x194A0]  }
0xed: {  	v9 =	vld [tilespmem:s5+$0x6800];
	v3 =	vmul.f32 $8.000000000e+00, v3  }
0xee: {  	v0 =	vld [tilespmem:s31+$0x19430]  }
0xef: {  	v8 =	vld [tilespmem:s0+$0x19400];
	v3 =	vadd.f32 v4, v3  }
0xf0: {  	v10 =	vld [tilespmem:s0+$0x19410];
	v5 =	vadd.f32 v5, v2;
	v1 =	vmul.f32 $8.000000000e+00, v1  }
0xf1: {  	v2 =	vld [tilespmem:s0+$0x19420];
	[tilespmem:s0+$0x13080] =	vst v3  }
0xf2: {  	[tilespmem:s31+$0x13010] =	vst v5;
	v3 =	vmul.f32 $8.000000000e+00, v9;
	v5 =	vld [tilespmem:s1+$0x6890];
	v1 =	vadd.f32 v7, v1  }
0xf3: {  	v4 =	vld [tilespmem:s25+$0x6820]  }
0xf4: {  	v7 =	vld [tilespmem:s0+$0x19490];
	[tilespmem:s31+$0x130A0] =	vst v1;
	v1 =	vadd.f32 v8, v3  }
0xf5: {  	v8 =	vld [tilespmem:s9+$0xFFFFFFFF]  }
0xf6: {  	s17 =	spop (v2sf);
	v3 =	vld [tilespmem:s7+$0x68B0];
	[tilespmem:s0+$0x13000] =	vst v1  }
0xf7: {  	s7 =	sand.u32 $0x1, s17;
	v13 =	vmul.f32 $8.000000000e+00, v5;
	v12 =	vld [tilespmem:s5+$0x6810]  }
0xf8: {  	v9 =	vld [tilespmem:s31+$0x194B0];
	s7 =	sshll.u32 s7, $0x6  }
0xf9: {  	(v2sf) =	vpush v11, $0x0;
	v5 =	vld [tilespmem:s13+$0x19400];
	s7 =	sadd.s32 $0x200, s7;
	v7 =	vadd.f32 v7, v13;
	s26 =	spop (v2sf)  }
0xfa: {  	v62 =	vld [tilespmem:s7+$0x6880];
	(v2sf) =	vpush v8, $0x0;
	s9 =	sand.u32 $0x1, s26  }
0xfb: {  	v4 =	vmul.f32 $8.000000000e+00, v4;
	v1 =	vld [tilespmem:s0+$0x19430];
	[tilespmem:s0+$0x13090] =	vst v7;
	s9 =	sshll.u32 s9, $0x6  }
0xfc: {  	v63 =	vld [tilespmem:s1+$0x68A0];
	s12 =	sadd.s32 $0x200, s9;
	v7 =	vmul.f32 $8.000000000e+00, v12  }
0xfd: {  	v6 =	vadd.f32 v6, v4;
	v16 =	vmul.f32 $8.000000000e+00, v3;
	v15 =	vld [tilespmem:s12+$0x6800]  }
0xfe: {  	v10 =	vadd.f32 v10, v7;
	v7 =	vld [tilespmem:s0+$0x194A0]  }
0xff: {  	v4 =	vld [tilespmem:s13+$0x19420];
	[tilespmem:s31+$0x13020] =	vst v6;
	v9 =	vadd.f32 v9, v16;
	v11 =	vmul.f32 $8.000000000e+00, v62  }
0x100: {  	v3 =	vld [tilespmem:s13+$0x19410];
	[tilespmem:s0+$0x13010] =	vst v10  }
0x101: {  	s28 =	simm.s32 $0x6;
	[tilespmem:s31+$0x130B0] =	vst v9;
	v9 =	vmul.f32 $8.000000000e+00, v63;
	v10 =	vadd.f32 v14, v11;
	v8 =	vld [tilespmem:s5+$0x6820]  }
0x102: {  	s16 =	simm.s32 $0x109;
	s26 =	simm.s32 $0x800;
	v6 =	vld [tilespmem:s25+$0x6830];
	s9 =	sor.u32 $0x1, s30;
	v11 =	vmul.f32 $8.000000000e+00, v15  }
.LBB2_13:
0x103: {  	v12 =	vld [tilespmem:s16+$0x0];
	[tilespmem:s13+$0x13080] =	vst v10;
	v7 =	vadd.f32 v7, v9  }
0x104: {  	v5 =	vadd.f32 v5, v11;
	v9 =	vld [tilespmem:s7+$0x6890]  }
0x105: {  	v10 =	vld [tilespmem:s13+$0x19490];
	[tilespmem:s0+$0x130A0] =	vst v7  }
0x106: {  	s28 =	sadd.s32 $0x2, s28;
	[tilespmem:s13+$0x13000] =	vst v5;
	v5 =	vmul.f32 $8.000000000e+00, v8;
	v7 =	vld [tilespmem:s1+$0x68B0];
	s1 =	smov.u32 s7  }
0x107: {  	p0 =	slt.u32 s28, $0xC6;
	v8 =	vld [tilespmem:s16+$0xFFFFFFFF];
	v6 =	vmul.f32 $8.000000000e+00, v6  }
0x108: {  	s7 =	spop (v2sf);
	v5 =	vadd.f32 v2, v5;
	v11 =	vld [tilespmem:s0+$0x194B0];
	v2 =	vmov v4  }
0x109: {  	s26 =	sadd.s32 $0x400, s26;
	s7 =	sand.u32 $0x1, s7;
	s17 =	spop (v2sf);
	v4 =	vld [tilespmem:s12+$0x6810];
	v9 =	vmul.f32 $8.000000000e+00, v9;
	v6 =	vadd.f32 v0, v6;
	v0 =	vmov v1  }
0x10a: {  	s25 =	sshra.s32 s26, $0x2;
	s17 =	sand.u32 $0x1, s17;
	s7 =	sshll.u32 s7, $0x6;
	v1 =	vld [tilespmem:s13+$0x19430];
	[tilespmem:s0+$0x13020] =	vst v5  }
0x10b: {  	(v2sf) =	vpush v12, $0x0;
	s17 =	sshll.u32 s17, $0x6;
	v5 =	vld [tilespmem:s25+$0x19400];
	s7 =	sadd.s32 s25, s7;
	v9 =	vadd.f32 v10, v9;
	v7 =	vmul.f32 $8.000000000e+00, v7;
	[tilespmem:s31+$0x13030] =	vst v6;
	s31 =	smov.u32 s0  }
0x10c: {  	s0 =	smov.u32 s13;
	s13 =	smov.u32 s25;
	(v2sf) =	vpush v8, $0x0;
	s17 =	sadd.s32 s25, s17;
	v6 =	vld [tilespmem:s7+$0x6880]  }
0x10d: {  	v8 =	vld [tilespmem:s13+$0x19480];
	[tilespmem:s0+$0x13090] =	vst v9;
	v7 =	vadd.f32 v11, v7  }
0x10e: {  	v4 =	vmul.f32 $8.000000000e+00, v4;
	v9 =	vld [tilespmem:s1+$0x68A0]  }
0x10f: {  	v11 =	vld [tilespmem:s17+$0x6800];
	[tilespmem:s31+$0x130B0] =	vst v7  }
.Ltmp7:
0x110: {  	v10 =	vadd.f32 v3, v4;
	v7 =	vld [tilespmem:s0+$0x194A0];
	(pc) =	sbr.rel @p0 .LBB2_13-.Ltmp7, $4  }
0x111: {  	v3 =	vld [tilespmem:s13+$0x19410];
	v6 =	vmul.f32 $8.000000000e+00, v6  }
0x112: {  	v4 =	vld [tilespmem:s13+$0x19420];
	[tilespmem:s0+$0x13010] =	vst v10  }
0x113: {  	v10 =	vadd.f32 v8, v6;
	v8 =	vld [tilespmem:s12+$0x6820];
	v9 =	vmul.f32 $8.000000000e+00, v9  }
0x114: {  	s16 =	sadd.s32 $0x2, s16;
	v11 =	vmul.f32 $8.000000000e+00, v11;
	v6 =	vld [tilespmem:s5+$0x6830];
	s5 =	smov.u32 s12;
	s12 =	smov.u32 s17  }
0x115: {  	_ =	sdelay $0x4  }
0x116: {  	s16 =	spop (v2sf)  }
0x117: {  	s25 =	sadd.s32 $0x400, s26;
	s16 =	sand.u32 $0x1, s16;
	s17 =	spop (v2sf)  }
0x118: {  	s25 =	sshra.s32 s25, $0x2;
	s17 =	sand.u32 $0x1, s17;
	s16 =	sshll.u32 s16, $0x6  }
0x119: {  	s17 =	sshll.u32 s17, $0x6;
	s16 =	sadd.s32 s25, s16  }
0x11a: {  	s28 =	sadd.s32 s25, s17;
	v12 =	vld [tilespmem:s16+$0x6880]  }
0x11b: {  	v13 =	vld [tilespmem:s28+$0x6800]  }
0x11c: {  	v14 =	vld [tilespmem:s25+$0x19480]  }
0x11d: {  	v15 =	vld [tilespmem:s25+$0x19400];
	_ =	sdelay $0x1  }
0x11e: {  	v5 =	vadd.f32 v5, v11;
	v12 =	vmul.f32 $8.000000000e+00, v12  }
0x11f: {  	v25 =	vmul.f32 $8.000000000e+00, v13  }
0x120: {  	v27 =	vld [tilespmem:s13+$0x19490];
	[tilespmem:s13+$0x13000] =	vst v5;
	v12 =	vadd.f32 v14, v12  }
0x121: {  	[tilespmem:s13+$0x13080] =	vst v10;
	v29 =	vld [tilespmem:s12+$0x6810];
	v28 =	vadd.f32 v15, v25  }
0x122: {  	v26 =	vld [tilespmem:s7+$0x6890];
	[tilespmem:s25+$0x13080] =	vst v12  }
0x123: {  	v12 =	vld [tilespmem:s16+$0x6890];
	[tilespmem:s25+$0x13000] =	vst v28  }
0x124: {  	v5 =	vld [tilespmem:s28+$0x6810]  }
0x125: {  	v30 =	vld [tilespmem:s25+$0x19490]  }
0x126: {  	v31 =	vld [tilespmem:s25+$0x19410];
	v10 =	vmul.f32 $8.000000000e+00, v29  }
0x127: {  	v11 =	vmul.f32 $8.000000000e+00, v26  }
0x128: {  	v3 =	vadd.f32 v3, v10;
	v12 =	vmul.f32 $8.000000000e+00, v12  }
0x129: {  	v32 =	vld [tilespmem:s13+$0x19430];
	v11 =	vadd.f32 v27, v11;
	v5 =	vmul.f32 $8.000000000e+00, v5  }
0x12a: {  	v35 =	vld [tilespmem:s13+$0x194A0];
	[tilespmem:s13+$0x13010] =	vst v3;
	v33 =	vadd.f32 v30, v12  }
0x12b: {  	[tilespmem:s13+$0x13090] =	vst v11;
	v36 =	vld [tilespmem:s12+$0x6820];
	v5 =	vadd.f32 v31, v5  }
0x12c: {  	v34 =	vld [tilespmem:s7+$0x68A0];
	[tilespmem:s25+$0x13090] =	vst v33  }
0x12d: {  	v11 =	vld [tilespmem:s16+$0x68A0];
	[tilespmem:s25+$0x13010] =	vst v5  }
0x12e: {  	v39 =	vld [tilespmem:s28+$0x6820]  }
0x12f: {  	v41 =	vld [tilespmem:s25+$0x194A0];
	v38 =	vmul.f32 $8.000000000e+00, v8  }
0x130: {  	v37 =	vadd.f32 v7, v9;
	v42 =	vld [tilespmem:s25+$0x19420];
	v44 =	vmul.f32 $8.000000000e+00, v36  }
0x131: {  	v45 =	vld [tilespmem:s0+$0x194B0];
	v2 =	vadd.f32 v2, v38;
	v40 =	vmul.f32 $8.000000000e+00, v34  }
0x132: {  	v50 =	vld [tilespmem:s13+$0x194B0];
	[tilespmem:s0+$0x130A0] =	vst v37;
	v46 =	vadd.f32 v4, v44;
	v11 =	vmul.f32 $8.000000000e+00, v11  }
0x133: {  	v43 =	vld [tilespmem:s1+$0x68B0];
	[tilespmem:s0+$0x13020] =	vst v2;
	v3 =	vadd.f32 v35, v40;
	v8 =	vmul.f32 $8.000000000e+00, v39  }
0x134: {  	v47 =	vld [tilespmem:s5+$0x6830];
	[tilespmem:s13+$0x13020] =	vst v46;
	v48 =	vadd.f32 v41, v11  }
0x135: {  	[tilespmem:s13+$0x130A0] =	vst v3;
	v51 =	vld [tilespmem:s12+$0x6830];
	v5 =	vadd.f32 v42, v8  }
0x136: {  	v49 =	vld [tilespmem:s7+$0x68B0];
	[tilespmem:s25+$0x130A0] =	vst v48  }
0x137: {  	v6 =	vmul.f32 $8.000000000e+00, v6;
	v9 =	vld [tilespmem:s16+$0x68B0];
	[tilespmem:s25+$0x13020] =	vst v5  }
0x138: {  	v52 =	vmul.f32 $8.000000000e+00, v43;
	v53 =	vld [tilespmem:s28+$0x6830]  }
0x139: {  	v54 =	vld [tilespmem:s25+$0x194B0];
	v0 =	vadd.f32 v0, v6;
	v4 =	vmul.f32 $8.000000000e+00, v47  }
0x13a: {  	v55 =	vld [tilespmem:s25+$0x19430];
	v2 =	vadd.f32 v45, v52;
	v57 =	vmul.f32 $8.000000000e+00, v51  }
0x13b: {  	[tilespmem:s31+$0x13030] =	vst v0;
	v56 =	vadd.f32 v1, v4;
	v11 =	vmul.f32 $8.000000000e+00, v49  }
0x13c: {  	[tilespmem:s0+$0x130B0] =	vst v2;
	v60 =	vadd.f32 v32, v57;
	v59 =	vmul.f32 $8.000000000e+00, v9  }
0x13d: {  	[tilespmem:s0+$0x13030] =	vst v56;
	v58 =	vadd.f32 v50, v11;
	v61 =	vmul.f32 $8.000000000e+00, v53  }
.Ltmp8:
0x13e: {  	s31 =	sadd.s32 s8, s9;
	[tilespmem:s13+$0x13030] =	vst v60;
	v62 =	vadd.f32 v54, v59;
	(pc) =	sbr.rel @p1 .LBB2_18-.Ltmp8, $4  }
0x13f: {  	s0 =	smul.u32 $0xC80, s31;
	[tilespmem:s13+$0x130B0] =	vst v58;
	v63 =	vadd.f32 v55, v61  }
0x140: {  	[tilespmem:s25+$0x130B0] =	vst v62  }
0x141: {  	s0 =	sadd.s32 s6, s0;
	[tilespmem:s25+$0x13030] =	vst v63  }
0x142: {  	[hbm4b:s0+s3] =	stream.linear.scatter [tilespmem:s24], [sflag:$0x4], $0x6400, $0x38;
	[tilespmem:$0x1F800] =	vst v63  }
0x143: {  	s0 =	sadd.s32 s30, s11  }
0x144: {  	s0 =	smul.u32 $0x19, s0;
	_ =	sdelay $0x1  }
0x145: {  	s1 =	simm.s32 $0x0;
	s0 =	sadd.s32 s2, s0  }
0x146: {  	[tilespmem:s18], [sflag:$0x5] =	stream.linear.gather [hbm4b:s0+s1], $0xC8, $0x38;
	[tilespmem:$0x1F800] =	vst v63  }
0x147: {  	_ =	swait.ge [sflag:s14], $0xC8  }
0x148: {  	[sflag:s14] =	ssyncset.done $0x0  }
0x149: {  	s0 =	simm.s32 $0x0;
	[sflag:s14] =	ssyncadd.s32 $0xFFFFFF38  }
0x14a: {  	s1 =	simm.s32 $0x40;
	v0 =	vld [tilespmem:s0+$0x100]  }
.LBB2_16:
0x14b: {  	p0 =	sne.s32 s1, $0x300  }
.Ltmp9:
0x14c: {  	_ = 	snop;
	(pc) =	sbr.rel @p0 .LBB2_16-.Ltmp9, $3  }
0x14d: {  	_ =	sdelay $0x1  }
0x14e: {  	s5 =	sshra.s32 s1, $0x2;
	s1 =	sadd.s32 $0x40, s1;
	v1 =	vshrl.u32 v0, $0x1  }
0x14f: {  	v0 =	vld [tilespmem:s5+$0x100];
	[tilespmem:s0+$0x300] =	vst v1;
	s0 =	smov.u32 s5  }
0x150: {  	_ =	sdelay $0x1  }
.Ltmp10:
0x151: {  	_ = 	snop;
	(pc) =	sbr.rel .LBB2_6-.Ltmp10, $4  }
0x152: {  	_ = 	snop  }
0x153: {  	v0 =	vshrl.u32 v0, $0x1  }
0x154: {  	s29 =	sadd.s32 $0x1, s29;
	[tilespmem:s0+$0x300] =	vst v0  }
0x155: {  	[tilespmem:s20], [sflag:$0x2] =	stream.indirect.gather [hbm4b:s4+s15], $0x80, s19, s15, $0xb8;
	[tilespmem:$0x1F800] =	vst v63  }
.LBB2_19:
0x156: {  	_ =	sfence.sel $0x180000  }
0x157: {  	[bflag:$0x0] =	sbarrier.arrive $0xFFFF  }
0x158: {  	_ =	strace $0x90000047  }
0x159: {  	s0 =	stileid.u32;
	[bflag:$0x2] =	sbarrier.arrive $0xFFFF  }
0x15a: {  	p0 =	sne.s32 s0, $0x0;
	s0 =	rddreg [dreg:$0x2]  }
0x15b: {  	s0 =	sadd.s32 @!p0 $0x100000, s0  }
0x15c: {  	[sflag:s0] =	ssyncadd.tile.s32 @!p0 $0x1;
	_ =	shalt  }
.Lfunc_end2:
_tile_overlayer_lowered:
.L_overlay_start_2:
0x15d: {  	(tag) =	ssettag $0x2  }
0x15e: {  	s0 =	rddreg [dreg:$0x0];
	s2 =	stileid.u32  }
0x15f: {  	s1 =	rddreg [dreg:$0x1];
	p0 =	sne.s32 s2, $0x0  }
0x160: {  	s3 =	rddreg [dreg:$0x2];
	[bflag:$0x3] =	sbarrier.arrive $0xFFFF;
	s2 =	simm.s32 @!p0 $0x1C05  }
0x161: {  	[timem:s3], [sflag:s2] =	dma.local @!p0 [hbm:s0], s1  }
0x162: {  	s0 =	simm.s32 @!p0 $0x5  }
0x163: {  	_ =	swait.ge @!p0 [sflag:s0], s1  }
0x164: {  	s1 =	ssub.s32 @!p0 $0x0, s1;
	[sflag:s0] =	ssyncset.done @!p0 $0x0  }
0x165: {  	[sflag:s0] =	ssyncadd.s32 @!p0 s1  }
0x166: {  	[bflag:$0x3] =	sbarrier.arrive $0xFFFF  }
0x167: {  	_ =	shalt  }

// kernel: sparse-core-data-format-call.cloned.1.call-start
scs
called_computation_lowered:
.L_overlay_start_0:
0x0: {  	s2 =	sld [smem:$0x3FD9]  }
0x1: {  	s3 =	sld [smem:$0x3FFE];
	_ =	sdelay $0x1  }
0x2: {  	s1 =	srdreg.scid  }
0x3: {  	s0 =	sand.u32 $0x1, s1  }
0x4: {  	s18 =	sshll.u32 s0, $0xA;
	s2 =	sadd.s32 s3, s2  }
0x5: {  	s2 =	sadd.s32 s2, s18  }
0x6: {  	[smem:$0x3FC5] =	sst s2  }
0x7: {  	_ = 	snop  }
0x8: {  	s2 =	sld [smem:$0x3FD0];
	(tm) =	ssettm $0x1  }
0x9: {  	s19 =	sld [smem:$0x3FFB];
	_ =	sdelay $0x3  }
0xa: {  	_ =	strace s19  }
0xb: {  	s3 =	sld [smem:$0x3FFC];
	_ =	sdelay $0x3  }
0xc: {  	_ =	strace s3  }
0xd: {  	s3 =	sld [smem:$0x3FFD];
	_ =	sdelay $0x3  }
0xe: {  	_ =	strace s3  }
0xf: {  	_ =	strace $0x8FFFFFFF  }
0x10: {  	s20 =	sld [smem:$0x3FDB];
	_ =	sdelay $0x1  }
0x11: {  	s4 =	simm.s32 $_scs_section_size  }
0x12: {  	s5 =	simm.s32 $_size__tile_overlayer_lowered;
	s6 =	simm.s32 $_tile_overlayer_lowered  }
0x13: {  	s23 =	simm.s32 $0x1BFF;
	s22 =	sshll.u32 s6, $0x1;
	s3 =	sadd.s32 s4, s20  }
0x14: {  	s7 =	simm.s32 $0x0;
	s21 =	sshll.u32 s5, $0x1;
	s5 =	sadd.s32 s22, s3  }
0x15: {  	[timem:s7], [sflag:s23] =	dma.local [hbm:s5], s21  }
0x16: {  	_ =	swait.ge [sflag:s23], s21  }
0x17: {  	s4 =	ssub.s32 $0x0, s21;
	[sflag:s23] =	ssyncset.done $0x0  }
0x18: {  	[sflag:s23] =	ssyncadd.s32 s4;
	_ =	sdelay $0x1  }
0x19: {  	s24 =	simm.s32 $0x1B8B  }
0x1a: {  	_ =	swait.ge [sflag:s24], $0x1  }
0x1b: {  	[sflag:s24] =	ssyncset.done $0x0  }
0x1c: {  	s26 =	simm.s32 $0x1B8E;
	s25 =	sld [smem:$0x3FFE];
	[sflag:s24] =	ssyncadd.s32 $0xFFFFFFFF  }
0x1d: {  	s27 =	simm.s32 $execute0_lowered;
	[smem:$0x3FD2] =	sst s26  }
0x1e: {  	s5 =	sshll.u32 s27, $0x1;
	_ =	strace $0x80000049;
	[dreg:$0x1] =	wrdreg $0xFFFFFFFF  }
0x1f: {  	s28 =	simm.s32 $_size_execute0_lowered;
	s3 =	sadd.s32 s3, s5;
	[dreg:$0x0] =	wrdreg $0x0  }
0x20: {  	s5 =	sshll.u32 s28, $0x1;
	[dreg:$0x2] =	wrdreg s3  }
0x21: {  	[dreg:$0x3] =	wrdreg s5  }
0x22: {  	[dreg:$0x4] =	wrdreg $0xC0  }
0x23: {  	_ =	task [dreg:s7], $0x5FFFF  }
0x24: {  	[dreg:$0x1] =	wrdreg $0xFFFFFFFF  }
0x25: {  	[dreg:$0x0] =	wrdreg $0x60  }
0x26: {  	[dreg:$0x2] =	wrdreg s25  }
0x27: {  	[dreg:$0x3] =	wrdreg s2  }
0x28: {  	[dreg:$0x4] =	wrdreg $0x9  }
0x29: {  	_ =	task.clear_ibuf [dreg:s7], $0x5FFFF;
	_ =	strace $0x90000049  }
0x2a: {  	s29 =	simm.s32 $0x9;
	_ =	strace $0x8000004B  }
0x2b: {  	_ =	swait.ge [sflag:s29], $0x1  }
0x2c: {  	[sflag:s29] =	ssyncadd.s32 $0xFFFFFFFF  }
0x2d: {  	_ =	strace $0x9000004B  }
0x2e: {  	_ =	sfence  }
0x2f: {  	s30 =	sld [smem:$0x0];
	_ =	sdelay $0x2  }
0x30: {  	s31 =	sshll.u32 s1, $0xD;
	s1 =	sshrl.u32 s1, $0x2  }
0x31: {  	s3 =	sand.u32 $0x4000, s31;
	s1 =	sadd.s32 s1, s30  }
0x32: {  	s0 =	sor.u32 s3, s0;
	s1 =	sshll.u32 s1, $0x11  }
0x33: {  	s0 =	sor.u32 s1, s0  }
0x34: {  	s0 =	sadd.s32 $0x8F2B, s0  }
0x35: {  	[sflag:s0] =	ssyncadd.remote.s32 $0x1  }
0x36: {  	_ =	sfence.sel $0xFFFF  }
0x37: {  	[dreg:$0x0] =	wrdreg $0xFFFFFFFF;
	(pc) =	sbr.abs _section_cstart, $3  }
0x38: {  	[dreg:$0x1] =	wrdreg $0xFFFFFFFF  }
0x39: {  	_ =	task.clear_ibuf [dreg:s7], $0x2FFFF;
	_ =	strace $0x9FFFFFFF  }
0x3a: {  	(tm) =	ssettm $0x7FFFFFFF  }
0x3b: {  	_ =	shalt  }
tec
execute0_lowered:
.L_overlay_start_1:
0x0: {  	(tag) =	ssettag $0x1  }
0x1: {  	s0 =	srdreg.scid  }
0x2: {  	s1 =	sshll.u32 s0, $0x4  }
0x3: {  	s0 =	stileid.u32;
	s1 =	sand.u32 $0x10, s1  }
0x4: {  	s1 =	sor.u32 s0, s1  }
0x5: {  	s6 =	rddreg [dreg:$0x0];
	s4 =	simm.s32 $0x1;
	s2 =	sshll.u32 s1, $0x7  }
0x6: {  	s7 =	simm.s32 $0x2;
	s12 =	simm.s32 $0x0;
	s1 =	ssub.s32 $0x1000, s2  }
0x7: {  	s8 =	simm.s32 $0x8000;
	s13 =	simm.s32 $0x0;
	s3 =	sand.u32 $0xF80, s1  }
0x8: {  	s9 =	simm.s32 $0x0;
	s5 =	sshrl.u32 s1, $0xC;
	p0 =	sne.s32 s3, $0x0  }
.Ltmp0:
0x9: {  	s1 =	rddreg [dreg:$0x2];
	s4 =	simm.s32 @!p0 $0x0;
	(pc) =	sbr.rel .LBB1_1-.Ltmp0, $4  }
0xa: {  	s11 =	simm.s32 $0x0;
	s3 =	rddreg [dreg:$0x1];
	s5 =	sadd.s32 s4, s5  }
0xb: {  	_ =	strace $0x8000004A;
	s4 =	simm.s32 $0x1;
	s5 =	smul.u32 $0xC8, s5  }
0xc: {  	s6 =	sadd.s32 $0x14600, s6;
	s10 =	smov.u32 s2;
	[sflag:s4] =	ssyncpa.u1 $0x0  }
0xd: {  	p0 =	por $0x0, $0x0;
	[sflag:s7] =	ssyncpa.u1 $0x0;
	s7 =	sor.u32 $0x1, s5  }
.LBB1_4:
0xe: {  	s16 =	sshll.u32 s13, $0x3;
	s17 =	sand.u32 $0x78, s13  }
0xf: {  	s30 =	sand.u32 $0x7E00, s13;
	s12 =	sshll.u32 s12, $0xF;
	s16 =	sand.u32 $0xC00, s16  }
0x10: {  	[tilespmem:s15+$0x810 ss:$0x81] =	vst.msk $0xffff, v2;
	s31 =	sand.u32 $0x7, s13;
	s16 =	sor.u32 s17, s16;
	s17 =	sadd.s32 s3, s30  }
0x11: {  	[tilespmem:s15+$0x1020 ss:$0x81] =	vst.msk $0xffff, v0;
	s13 =	sshll.u32 s31, $0x12;
	s12 =	sadd.s32 s12, s17;
	s16 =	sshrl.u32 s16, $0x3  }
0x12: {  	[tilespmem:s15+$0x0 ss:$0x81] =	vst.msk $0xffff, v1;
	s13 =	sor.u32 $0x400, s13;
	s12 =	sadd.s32 s16, s12  }
0x13: {  	[hbm4b:s12+s13] =	stream.strided.scatter [tilespmem:s14], [sflag:$0x2], $0x2000, s8, s13, $0x20;
	[tilespmem:$0x8080] =	vst v63  }
.LBB1_5:
0x14: {  	s14 =	sadd.s32 $0x1, s9  }
0x15: {  	s12 =	sadd.s32 $0x1000, s10;
	s16 =	smov.u32 s10;
	p2 =	sgt.s32 s14, $0xC7  }
0x16: {  	s16 =	smov.u32 @p2 s12  }
0x17: {  	s14 =	simm.s32 @p2 $0x0;
	p2 =	sgt.s32 s16, $0xFFF  }
0x18: {  	s16 =	smov.u32 @p2 s2;
	p2 =	sne.s32 s11, s7  }
.Ltmp1:
0x19: {  	p1 =	slt.u32 s11, $0x2;
	(pc) =	sbr.rel @!p2 .LBB1_6-.Ltmp1, $4  }
0x1a: {  	s15 =	simm.s32 @!p1 $0x2  }
0x1b: {  	s13 =	smov.u32 s10;
	p0 =	por !p0, !p0;
	_ =	swait.ge @!p1 [sflag:s15], $0x2000  }
0x1c: {  	s12 =	smov.u32 s9;
	[sflag:s15] =	ssyncset.done @!p1 $0x0;
	s9 =	smov.u32 s14  }
0x1d: {  	s11 =	sadd.s32 $0x1, s11;
	[sflag:s15] =	ssyncadd.s32 @!p1 $0xFFFFE000;
	s10 =	smov.u32 s16  }
.LBB1_1:
0x1e: {  	p1 =	sge.u32 s11, s5  }
0x1f: {  	s14 =	sand.u32 @!p1 $0x1FFFFFF, s9  }
0x20: {  	s15 =	smulhi.u32 @!p1 $0x147AE15, s14;
	_ =	sdelay $0x1  }
0x21: {  	s15 =	smul.u32 @!p1 $0xC8, s15  }
0x22: {  	s16 =	sxor.u32 @!p1 $0xFFFFFFFF, s11;
	s17 =	smul.u32 @!p1 $0xC80, s10  }
0x23: {  	s31 =	sadd.s32 $0xFFFFFFFF, s11;
	s16 =	sshll.u32 @!p1 s16, $0xD;
	s14 =	ssub.s32 @!p1 s14, s15  }
0x24: {  	s15 =	sand.u32 @!p1 $0x2000, s16;
	s16 =	sadd.s32 @!p1 s6, s17;
	s14 =	sshll.u32 @!p1 s14, $0x4  }
0x25: {  	s17 =	simm.s32 @!p1 $0x6400;
	s14 =	sadd.s32 @!p1 s14, s16;
	s16 =	simm.s32 @!p1 $0x40  }
0x26: {  	[tilespmem:s15], [sflag:$0x1] =	stream.strided.gather @!p1 [hbm4b:s14+s16], $0x2000, s17, s16, $0x38;
	[tilespmem:$0x8080] =	vst v63  }
0x27: {  	p1 =	sge.u32 s31, s5  }
.Ltmp2:
0x28: {  	_ = 	snop;
	(pc) =	sbr.rel @p1 .LBB1_5-.Ltmp2, $1  }
0x29: {  	_ =	sdelay $0x3  }
0x2a: {  	s14 =	simm.s32 $0x1  }
0x2b: {  	_ =	swait.ge [sflag:s4], $0x2000;
	s14 =	simm.s32 @!p0 $0x0  }
0x2c: {  	[sflag:s4] =	ssyncset.done $0x0;
	s15 =	sshll.u32 s14, $0xD  }
0x2d: {  	[sflag:s4] =	ssyncadd.s32 $0xFFFFE000;
	s18 =	sor.u32 $0x20, s15  }
0x2e: {  	s14 =	smul.u32 $0x8100, s14;
	v3 =	vld [tilespmem:s18+$0x10]  }
0x2f: {  	s30 =	sand.u32 $0x1, s11;
	v2 =	vld [tilespmem:s18+$0xFFFFFFF0]  }
0x30: {  	s15 =	smul.u32 $0x8100, s30;
	s14 =	sshrl.u32 s14, $0x2;
	v0 =	vld [tilespmem:s18+$0x0]  }
0x31: {  	v1 =	vld [tilespmem:s18+$0xFFFFFFE0];
	s16 =	sor.u32 $0x4000, s14  }
0x32: {  	s31 =	sshrl.u32 s15, $0x2;
	s15 =	sadd.s32 $0x0, s16  }
0x33: {  	s17 =	simm.s32 $0x4;
	s18 =	sadd.s32 $0x40, s18;
	s14 =	sor.u32 $0x4000, s31;
	[tilespmem:s15+$0x1830 ss:$0x81] =	vst.msk $0xffff, v3  }
.LBB1_3:
0x34: {  	v3 =	vld [tilespmem:s18+$0x10];
	p1 =	sne.s32 s17, $0x1FC;
	[tilespmem:s15+$0x810 ss:$0x81] =	vst.msk $0xffff, v2;
	s19 =	smov.u32 s17;
	s17 =	sadd.s32 $0x4, s17  }
.Ltmp3:
0x35: {  	v2 =	vld [tilespmem:s18+$0xFFFFFFF0];
	[tilespmem:s15+$0x1020 ss:$0x81] =	vst.msk $0xffff, v0;
	(pc) =	sbr.rel @p1 .LBB1_3-.Ltmp3, $4  }
0x36: {  	v0 =	vld [tilespmem:s18+$0x0];
	[tilespmem:s15+$0x0 ss:$0x81] =	vst.msk $0xffff, v1  }
0x37: {  	s15 =	sshra.s32 s19, $0x2;
	v1 =	vld [tilespmem:s18+$0xFFFFFFE0]  }
0x38: {  	s15 =	sadd.s32 s15, s16  }
0x39: {  	s18 =	sadd.s32 $0x40, s18;
	[tilespmem:s15+$0x1830 ss:$0x81] =	vst.msk $0xffff, v3  }
.Ltmp4:
0x3a: {  	_ = 	snop;
	(pc) =	sbr.rel .LBB1_4-.Ltmp4, $1  }
0x3b: {  	_ =	sdelay $0x3  }
.LBB1_6:
0x3c: {  	_ =	sfence.sel $0x180000  }
0x3d: {  	s2 =	simm.s32 $0x1;
	[bflag:$0x0] =	sbarrier.arrive $0xFFFF  }
0x3e: {  	s31 =	simm.s32 $0x2;
	[sflag:s2] =	ssyncpa.u1 $0x1  }
0x3f: {  	[sflag:s31] =	ssyncpa.u1 $0x1  }
0x40: {  	p0 =	sne.s32 s0, $0x0;
	_ =	strace $0x9000004A  }
0x41: {  	s0 =	sadd.s32 @!p0 $0x100000, s1;
	[bflag:$0x2] =	sbarrier.arrive $0xFFFF  }
0x42: {  	[sflag:s0] =	ssyncadd.tile.s32 @!p0 $0x1;
	_ =	shalt  }
.Lfunc_end1:
_tile_overlayer_lowered:
.L_overlay_start_2:
0x43: {  	(tag) =	ssettag $0x2  }
0x44: {  	s0 =	rddreg [dreg:$0x0];
	s2 =	stileid.u32  }
0x45: {  	s1 =	rddreg [dreg:$0x1];
	p0 =	sne.s32 s2, $0x0  }
0x46: {  	s3 =	rddreg [dreg:$0x2];
	[bflag:$0x3] =	sbarrier.arrive $0xFFFF;
	s2 =	simm.s32 @!p0 $0x1C01  }
0x47: {  	[timem:s3], [sflag:s2] =	dma.local @!p0 [hbm:s0], s1  }
0x48: {  	s0 =	simm.s32 @!p0 $0x1  }
0x49: {  	_ =	swait.ge @!p0 [sflag:s0], s1  }
0x4a: {  	s1 =	ssub.s32 @!p0 $0x0, s1;
	[sflag:s0] =	ssyncset.done @!p0 $0x0  }
0x4b: {  	[sflag:s0] =	ssyncadd.s32 @!p0 s1  }
0x4c: {  	[bflag:$0x3] =	sbarrier.arrive $0xFFFF  }
0x4d: {  	_ =	shalt  }

</sc_bundles>
